<compile_context>
chip_gen: v7x
topology: tpu7x:2x2x1
jax: 0.10.2.dev20260603
libtpu: 0.0.44.dev20260713+nightly
codegen_flags: <defaults>
</compile_context>

<pallas_src>
import functools

import jax
import jax.numpy as jnp
from jax.experimental import pallas as pl
from jax.experimental.pallas import tpu as pltpu

_TOPK = 2000
_K = 2048
_KL = _K // 8
_OUT = 1000
_THR = 0.7
_IMG = 1024.0
_NEG = -1e9
_CHUNK = 256


def _decode_rows(ax1, ay1, ax2, ay2, dx, dy, dw, dh):
    aw = ax2 - ax1
    ah = ay2 - ay1
    acx = ax1 + 0.5 * aw
    acy = ay1 + 0.5 * ah
    pcx = acx + dx * aw
    pcy = acy + dy * ah
    pw = jnp.exp(dw) * aw
    ph = jnp.exp(dh) * ah
    x1 = pcx - 0.5 * pw
    y1 = pcy - 0.5 * ph
    x2 = x1 + pw
    y2 = y1 + ph
    clip = lambda v: jnp.clip(v, 0.0, _IMG)
    return clip(x1), clip(y1), clip(x2), clip(y2)


def _nms_kernel(anch_t_ref, pred_t_ref, anch_c_ref, pred_c_ref, scores_ref,
                boxes_out_ref, scores_out_ref, m_ref):
    at = anch_t_ref[0]
    pt = pred_t_ref[0]
    x1, y1, x2, y2 = _decode_rows(
        at[0:1, :], at[1:2, :], at[2:3, :], at[3:4, :],
        pt[0:1, :], pt[1:2, :], pt[2:3, :], pt[3:4, :])
    area_r = (x2 - x1) * (y2 - y1)

    lane_i = jax.lax.broadcasted_iota(jnp.int32, (1, _K), 1)

    for c in range(_K // _CHUNK):
        r0 = c * _CHUNK
        ac = anch_c_ref[0]
        pc = pred_c_ref[0]
        sl = lambda ref, k: ref[r0:r0 + _CHUNK, k:k + 1]
        cx1, cy1, cx2, cy2 = _decode_rows(
            sl(ac, 0), sl(ac, 1), sl(ac, 2), sl(ac, 3),
            sl(pc, 0), sl(pc, 1), sl(pc, 2), sl(pc, 3))
        area_c = (cx2 - cx1) * (cy2 - cy1)

        w = jnp.maximum(jnp.minimum(cx2, x2) - jnp.maximum(cx1, x1), 0.0)
        h = jnp.maximum(jnp.minimum(cy2, y2) - jnp.maximum(cy1, y1), 0.0)
        inter = w * h
        cond = inter * (1.0 + _THR) > _THR * (area_c + area_r + 1e-9)
        row_i = (jax.lax.broadcasted_iota(jnp.int32, (_CHUNK, 1), 0) + r0)
        m = jnp.where(cond & (lane_i > row_i), 1.0, 0.0)
        m_ref[8 * r0:8 * (r0 + _CHUNK), :] = m.reshape(_CHUNK * 8, _KL)

    idx_f = (jax.lax.broadcasted_iota(jnp.int32, (8, _KL), 0) * _KL
             + jax.lax.broadcasted_iota(jnp.int32, (8, _KL), 1))

    U = 4

    def msum(vec, pos):
        return jnp.sum(jnp.where(idx_f == pos, vec, 0.0))

    def body(g, keep):
        base = g * U
        rows = [m_ref[pl.ds((base + u) * 8, 8), :] for u in range(U)]
        a = [msum(keep, base + u) for u in range(U)]
        mm = {(u, v): msum(rows[u], base + v)
              for u in range(U - 1) for v in range(u + 1, U)}
        k = [a[0]]
        for v in range(1, U):
            kv = a[v]
            for u in range(v):
                kv = kv * (1.0 - mm[(u, v)] * k[u])
            k.append(kv)
        upd = 1.0 - rows[0] * k[0]
        for u in range(1, U):
            upd = upd * (1.0 - rows[u] * k[u])
        return keep * upd

    keep_f = jax.lax.fori_loop(0, _TOPK // U, body,
                               jnp.ones((8, _KL), jnp.float32))

    keep = keep_f.reshape(1, _K)
    keep = jnp.where(lane_i < _TOPK, keep, 0.0)
    scores = scores_ref[0]
    kept_scores = jnp.where(keep > 0.5, scores, _NEG)

    def cumsum_lanes(v):
        s = 1
        while s < _K:
            v = v + jnp.concatenate(
                [jnp.zeros((1, s), jnp.float32), v[:, :_K - s]], axis=1)
            s *= 2
        return v

    ck = cumsum_lanes(keep)
    cs = cumsum_lanes(1.0 - keep)
    total_kept = jnp.sum(keep)
    dest = jnp.where(keep > 0.5, ck - 1.0, total_kept + cs - 1.0)

    d_iota = jax.lax.broadcasted_iota(jnp.int32, (_OUT, 1), 0)
    perm = jnp.where(dest.astype(jnp.int32) == d_iota, 1.0, 0.0)

    boxes_t = jnp.concatenate([x1, y1, x2, y2], axis=0)
    dot = functools.partial(
        jax.lax.dot_general,
        dimension_numbers=(((1,), (1,)), ((), ())),
        preferred_element_type=jnp.float32)
    boxes_out_ref[0] = dot(perm, boxes_t)
    scores_out_ref[0] = dot(perm, kept_scores)


def kernel(predicts, objectness, anchors):
    bs = predicts.shape[0]
    top_scores, top_idx = jax.lax.top_k(objectness, _TOPK)
    pred_g = jnp.take_along_axis(predicts, top_idx[..., None], axis=1)
    anch_g = jnp.take(anchors, top_idx, axis=0)
    pad = ((0, 0), (0, _K - _TOPK), (0, 0))
    pred_g = jnp.pad(pred_g, pad)
    anch_g = jnp.pad(anch_g, pad)
    pred_t = jnp.transpose(pred_g, (0, 2, 1))
    anch_t = jnp.transpose(anch_g, (0, 2, 1))
    scores_r = jnp.pad(top_scores, ((0, 0), (0, _K - _TOPK)),
                       constant_values=_NEG)[:, None, :]

    spec = lambda *shape: pl.BlockSpec((1,) + shape,
                                       lambda b: (b,) + (0,) * len(shape))
    boxes, scores = pl.pallas_call(
        _nms_kernel,
        grid=(bs,),
        in_specs=[spec(4, _K), spec(4, _K), spec(_K, 4), spec(_K, 4),
                  spec(1, _K)],
        out_specs=[spec(_OUT, 4), spec(_OUT, 1)],
        out_shape=[jax.ShapeDtypeStruct((bs, _OUT, 4), jnp.float32),
                   jax.ShapeDtypeStruct((bs, _OUT, 1), jnp.float32)],
        scratch_shapes=[pltpu.VMEM((_K * 8, _KL), jnp.float32)],
        compiler_params=pltpu.CompilerParams(
            vmem_limit_bytes=100 * 1024 * 1024),
    )(anch_t, pred_t, anch_g, pred_g, scores_r)

    return jnp.concatenate([boxes, scores], axis=-1)

# --- scband reference (transcript-rebuilt; emitter-appended) ---
"""Pipeline reference for scband-rpn-60662118089263 (READ-ONLY COPY).

The authoritative reference and input builder live on the scoring server;
editing this copy changes nothing except your own understanding.
"""

import jax, jax.numpy as jnp
import numpy as np

BS = 2
N = 20000
PRE_NMS = 2000
POST_NMS = 1000
NMS_THRESH = 0.7
IMG = 1024.0
NEG = -1e9


def setup_inputs(seed: int = 0) -> dict:
    key = jax.random.key(seed)
    k1, k2, k3, k4 = jax.random.split(key, 4)
    # regression deltas predicted by rpn_head (box_coder weights = [1,1,1,1])
    predicts = jax.random.normal(k1, (BS, N, 4), dtype=jnp.float32) * 0.1
    # objectness logits predicted by rpn_head
    objectness = jax.random.normal(k2, (BS, N), dtype=jnp.float32)
    # valid anchors (x1,y1,x2,y2) inside a 1024x1024 image
    cxy = jax.random.uniform(k3, (N, 2), minval=0.0, maxval=IMG, dtype=jnp.float32)
    wh = jax.random.uniform(k4, (N, 2), minval=16.0, maxval=256.0, dtype=jnp.float32)
    anchors = jnp.concatenate([cxy - 0.5 * wh, cxy + 0.5 * wh], axis=-1).astype(jnp.float32)
    return {"predicts": predicts, "objectness": objectness, "anchors": anchors}


def _decode(predicts, anchors):
    # BoxCoder.decoder with weights [1,1,1,1]
    a_wh = anchors[:, 2:4] - anchors[:, 0:2]
    a_xy = anchors[:, 0:2] + 0.5 * a_wh
    d_xy = predicts[..., :2]
    d_wh = predicts[..., 2:]
    p_xy = a_xy + d_xy * a_wh
    p_wh = jnp.exp(d_wh) * a_wh
    x1y1 = p_xy - 0.5 * p_wh
    x2y2 = x1y1 + p_wh
    return jnp.concatenate([x1y1, x2y2], axis=-1)


def _iou_row(box, boxes):
    lt = jnp.maximum(box[:2], boxes[:, :2])
    rb = jnp.minimum(box[2:], boxes[:, 2:])
    wh = jnp.clip(rb - lt, 0.0)
    inter = wh[:, 0] * wh[:, 1]
    a1 = (box[2] - box[0]) * (box[3] - box[1])
    a2 = (boxes[:, 2] - boxes[:, 0]) * (boxes[:, 3] - boxes[:, 1])
    return inter / (a1 + a2 - inter + 1e-9)


def _nms_keep(boxes):
    # boxes are already sorted by score descending
    n = boxes.shape[0]
    idxs = jnp.arange(n)
    keep0 = jnp.ones((n,), dtype=bool)

    def body(i, keep):
        iou = _iou_row(boxes[i], boxes)
        suppress = (iou > NMS_THRESH) & (idxs > i) & keep[i]
        return keep & (~suppress)

    return jax.lax.fori_loop(0, n, body, keep0)


def reference(predicts, objectness, anchors):
    # decode deltas against anchors (BoxCoder.decoder)
    proposals = _decode(predicts, anchors)
    # clip to valid image size (as done in filter_proposals)
    proposals = jnp.clip(proposals, 0.0, IMG)
    # pre-NMS top-k per image (single anchor level)
    top_scores, top_idx = jax.lax.top_k(objectness, PRE_NMS)
    top_boxes = jnp.take_along_axis(proposals, top_idx[..., None], axis=1)

    def per_image(boxes, scores):
        keep = jax.lax.stop_gradient(_nms_keep(boxes))
        kept_scores = jnp.where(keep, scores, NEG)
        final_scores, order = jax.lax.top_k(kept_scores, POST_NMS)
        final_boxes = boxes[order]
        return final_boxes, final_scores

    final_boxes, final_scores = jax.vmap(per_image)(top_boxes, top_scores)
    return jnp.concatenate([final_boxes, final_scores[..., None]], axis=-1)

if __name__ == "__main__":
    import jax
    _d = setup_inputs()
    print(jax.jit(kernel)(*tuple(_d.values())))

</pallas_src>

<mosaic_0001>
module attributes {stable_mosaic.version = 14 : i64} {
  func.func @_nms_kernel(%arg0: i32, %arg1: memref<1x4x2048xf32, #tpu.memory_space<vmem>>, %arg2: memref<1x4x2048xf32, #tpu.memory_space<vmem>>, %arg3: memref<1x2048x4xf32, #tpu.memory_space<vmem>>, %arg4: memref<1x2048x4xf32, #tpu.memory_space<vmem>>, %arg5: memref<1x1x2048xf32, #tpu.memory_space<vmem>>, %arg6: memref<1x1000x4xf32, #tpu.memory_space<vmem>>, %arg7: memref<1x1000x1xf32, #tpu.memory_space<vmem>>, %arg8: memref<16384x256xf32, #tpu.memory_space<vmem>>) attributes {dimension_semantics = [#tpu.dimension_semantics<arbitrary>], iteration_bounds = array<i64: 2>, scalar_prefetch = 0 : i64, scratch_operands = 1 : i64, tpu.core_type = #tpu.core_type<tc>, window_params = [{transform_indices = @transform_0, window_bounds = array<i64: 1, 4, 2048>}, {transform_indices = @transform_1, window_bounds = array<i64: 1, 4, 2048>}, {transform_indices = @transform_2, window_bounds = array<i64: 1, 2048, 4>}, {transform_indices = @transform_3, window_bounds = array<i64: 1, 2048, 4>}, {transform_indices = @transform_4, window_bounds = array<i64: 1, 1, 2048>}, {transform_indices = @transform_5, window_bounds = array<i64: 1, 1000, 4>}, {transform_indices = @transform_6, window_bounds = array<i64: 1, 1000, 1>}]} {
    %get3A = arith.constant 0 : index
    %get3A_0 = arith.constant 0 : index
    %get3A_1 = arith.constant 0 : index
    %get3A_2 = vector.load %arg1[%get3A, %get3A_0, %get3A_1] : memref<1x4x2048xf32, #tpu.memory_space<vmem>>, vector<1x4x2048xf32>
    %get3A_3 = vector.shape_cast %get3A_2 : vector<1x4x2048xf32> to vector<4x2048xf32>
    %get3A_4 = arith.constant 0 : index
    %get3A_5 = arith.constant 0 : index
    %get3A_6 = arith.constant 0 : index
    %get3A_7 = vector.load %arg2[%get3A_4, %get3A_5, %get3A_6] : memref<1x4x2048xf32, #tpu.memory_space<vmem>>, vector<1x4x2048xf32>
    %get3A_8 = vector.shape_cast %get3A_7 : vector<1x4x2048xf32> to vector<4x2048xf32>
    %slice3A = vector.extract_strided_slice %get3A_3 {offsets = [0, 0], sizes = [1, 2048], strides = [1, 1]} : vector<4x2048xf32> to vector<1x2048xf32>
    %slice3A_9 = vector.extract_strided_slice %get3A_3 {offsets = [1, 0], sizes = [1, 2048], strides = [1, 1]} : vector<4x2048xf32> to vector<1x2048xf32>
    %slice3A_10 = vector.extract_strided_slice %get3A_3 {offsets = [2, 0], sizes = [1, 2048], strides = [1, 1]} : vector<4x2048xf32> to vector<1x2048xf32>
    %slice3A_11 = vector.extract_strided_slice %get3A_3 {offsets = [3, 0], sizes = [1, 2048], strides = [1, 1]} : vector<4x2048xf32> to vector<1x2048xf32>
    %slice3A_12 = vector.extract_strided_slice %get3A_8 {offsets = [0, 0], sizes = [1, 2048], strides = [1, 1]} : vector<4x2048xf32> to vector<1x2048xf32>
    %slice3A_13 = vector.extract_strided_slice %get3A_8 {offsets = [1, 0], sizes = [1, 2048], strides = [1, 1]} : vector<4x2048xf32> to vector<1x2048xf32>
    %slice3A_14 = vector.extract_strided_slice %get3A_8 {offsets = [2, 0], sizes = [1, 2048], strides = [1, 1]} : vector<4x2048xf32> to vector<1x2048xf32>
    %slice3A_15 = vector.extract_strided_slice %get3A_8 {offsets = [3, 0], sizes = [1, 2048], strides = [1, 1]} : vector<4x2048xf32> to vector<1x2048xf32>
    %sub3A = arith.subf %slice3A_10, %slice3A : vector<1x2048xf32>
    %sub3A_16 = arith.subf %slice3A_11, %slice3A_9 : vector<1x2048xf32>
    %mul3A = arith.constant 5.000000e-01 : f32
    %mul3A_17 = vector.broadcast %mul3A : f32 to vector<1x2048xf32>
    %mul3A_18 = arith.mulf %mul3A_17, %sub3A : vector<1x2048xf32>
    %add3A = arith.addf %slice3A, %mul3A_18 : vector<1x2048xf32>
    %mul3A_19 = arith.constant 5.000000e-01 : f32
    %mul3A_20 = vector.broadcast %mul3A_19 : f32 to vector<1x2048xf32>
    %mul3A_21 = arith.mulf %mul3A_20, %sub3A_16 : vector<1x2048xf32>
    %add3A_22 = arith.addf %slice3A_9, %mul3A_21 : vector<1x2048xf32>
    %mul3A_23 = arith.mulf %slice3A_12, %sub3A : vector<1x2048xf32>
    %add3A_24 = arith.addf %add3A, %mul3A_23 : vector<1x2048xf32>
    %mul3A_25 = arith.mulf %slice3A_13, %sub3A_16 : vector<1x2048xf32>
    %add3A_26 = arith.addf %add3A_22, %mul3A_25 : vector<1x2048xf32>
    %exp3A = math.exp %slice3A_14 : vector<1x2048xf32>
    %mul3A_27 = arith.mulf %exp3A, %sub3A : vector<1x2048xf32>
    %exp3A_28 = math.exp %slice3A_15 : vector<1x2048xf32>
    %mul3A_29 = arith.mulf %exp3A_28, %sub3A_16 : vector<1x2048xf32>
    %mul3A_30 = arith.constant 5.000000e-01 : f32
    %mul3A_31 = vector.broadcast %mul3A_30 : f32 to vector<1x2048xf32>
    %mul3A_32 = arith.mulf %mul3A_31, %mul3A_27 : vector<1x2048xf32>
    %sub3A_33 = arith.subf %add3A_24, %mul3A_32 : vector<1x2048xf32>
    %mul3A_34 = arith.constant 5.000000e-01 : f32
    %mul3A_35 = vector.broadcast %mul3A_34 : f32 to vector<1x2048xf32>
    %mul3A_36 = arith.mulf %mul3A_35, %mul3A_29 : vector<1x2048xf32>
    %sub3A_37 = arith.subf %add3A_26, %mul3A_36 : vector<1x2048xf32>
    %add3A_38 = arith.addf %sub3A_33, %mul3A_27 : vector<1x2048xf32>
    %add3A_39 = arith.addf %sub3A_37, %mul3A_29 : vector<1x2048xf32>
    %jit3A = arith.constant 0.000000e+00 : f32
    %jit3A_40 = arith.constant 1.024000e+03 : f32
    %max3A = vector.broadcast %jit3A : f32 to vector<1x2048xf32>
    %max3A_41 = arith.maximumf %max3A, %sub3A_33 : vector<1x2048xf32>
    %min3A = vector.broadcast %jit3A_40 : f32 to vector<1x2048xf32>
    %min3A_42 = arith.minimumf %min3A, %max3A_41 : vector<1x2048xf32>
    %jit3A_43 = arith.constant 0.000000e+00 : f32
    %jit3A_44 = arith.constant 1.024000e+03 : f32
    %max3A_45 = vector.broadcast %jit3A_43 : f32 to vector<1x2048xf32>
    %max3A_46 = arith.maximumf %max3A_45, %sub3A_37 : vector<1x2048xf32>
    %min3A_47 = vector.broadcast %jit3A_44 : f32 to vector<1x2048xf32>
    %min3A_48 = arith.minimumf %min3A_47, %max3A_46 : vector<1x2048xf32>
    %jit3A_49 = arith.constant 0.000000e+00 : f32
    %jit3A_50 = arith.constant 1.024000e+03 : f32
    %max3A_51 = vector.broadcast %jit3A_49 : f32 to vector<1x2048xf32>
    %max3A_52 = arith.maximumf %max3A_51, %add3A_38 : vector<1x2048xf32>
    %min3A_53 = vector.broadcast %jit3A_50 : f32 to vector<1x2048xf32>
    %min3A_54 = arith.minimumf %min3A_53, %max3A_52 : vector<1x2048xf32>
    %jit3A_55 = arith.constant 0.000000e+00 : f32
    %jit3A_56 = arith.constant 1.024000e+03 : f32
    %max3A_57 = vector.broadcast %jit3A_55 : f32 to vector<1x2048xf32>
    %max3A_58 = arith.maximumf %max3A_57, %add3A_39 : vector<1x2048xf32>
    %min3A_59 = vector.broadcast %jit3A_56 : f32 to vector<1x2048xf32>
    %min3A_60 = arith.minimumf %min3A_59, %max3A_58 : vector<1x2048xf32>
    %sub3A_61 = arith.subf %min3A_54, %min3A_42 : vector<1x2048xf32>
    %sub3A_62 = arith.subf %min3A_60, %min3A_48 : vector<1x2048xf32>
    %mul3A_63 = arith.mulf %sub3A_61, %sub3A_62 : vector<1x2048xf32>
    %iota3A = tpu.iota {dimensions = array<i32: 1>} : vector<1x2048xi32>
    %get3A_64 = arith.constant 0 : index
    %get3A_65 = arith.constant 0 : index
    %get3A_66 = arith.constant 0 : index
    %get3A_67 = vector.load %arg3[%get3A_64, %get3A_65, %get3A_66] : memref<1x2048x4xf32, #tpu.memory_space<vmem>>, vector<1x2048x4xf32>
    %get3A_68 = vector.shape_cast %get3A_67 : vector<1x2048x4xf32> to vector<2048x4xf32>
    %get3A_69 = arith.constant 0 : index
    %get3A_70 = arith.constant 0 : index
    %get3A_71 = arith.constant 0 : index
    %get3A_72 = vector.load %arg4[%get3A_69, %get3A_70, %get3A_71] : memref<1x2048x4xf32, #tpu.memory_space<vmem>>, vector<1x2048x4xf32>
    %get3A_73 = vector.shape_cast %get3A_72 : vector<1x2048x4xf32> to vector<2048x4xf32>
    %slice3A_74 = vector.extract_strided_slice %get3A_68 {offsets = [0, 0], sizes = [256, 1], strides = [1, 1]} : vector<2048x4xf32> to vector<256x1xf32>
    %slice3A_75 = vector.extract_strided_slice %get3A_68 {offsets = [0, 1], sizes = [256, 1], strides = [1, 1]} : vector<2048x4xf32> to vector<256x1xf32>
    %slice3A_76 = vector.extract_strided_slice %get3A_68 {offsets = [0, 2], sizes = [256, 1], strides = [1, 1]} : vector<2048x4xf32> to vector<256x1xf32>
    %slice3A_77 = vector.extract_strided_slice %get3A_68 {offsets = [0, 3], sizes = [256, 1], strides = [1, 1]} : vector<2048x4xf32> to vector<256x1xf32>
    %slice3A_78 = vector.extract_strided_slice %get3A_73 {offsets = [0, 0], sizes = [256, 1], strides = [1, 1]} : vector<2048x4xf32> to vector<256x1xf32>
    %slice3A_79 = vector.extract_strided_slice %get3A_73 {offsets = [0, 1], sizes = [256, 1], strides = [1, 1]} : vector<2048x4xf32> to vector<256x1xf32>
    %slice3A_80 = vector.extract_strided_slice %get3A_73 {offsets = [0, 2], sizes = [256, 1], strides = [1, 1]} : vector<2048x4xf32> to vector<256x1xf32>
    %slice3A_81 = vector.extract_strided_slice %get3A_73 {offsets = [0, 3], sizes = [256, 1], strides = [1, 1]} : vector<2048x4xf32> to vector<256x1xf32>
    %sub3A_82 = arith.subf %slice3A_76, %slice3A_74 : vector<256x1xf32>
    %sub3A_83 = arith.subf %slice3A_77, %slice3A_75 : vector<256x1xf32>
    %mul3A_84 = arith.constant 5.000000e-01 : f32
    %mul3A_85 = vector.broadcast %mul3A_84 : f32 to vector<256x1xf32>
    %mul3A_86 = arith.mulf %mul3A_85, %sub3A_82 : vector<256x1xf32>
    %add3A_87 = arith.addf %slice3A_74, %mul3A_86 : vector<256x1xf32>
    %mul3A_88 = arith.constant 5.000000e-01 : f32
    %mul3A_89 = vector.broadcast %mul3A_88 : f32 to vector<256x1xf32>
    %mul3A_90 = arith.mulf %mul3A_89, %sub3A_83 : vector<256x1xf32>
    %add3A_91 = arith.addf %slice3A_75, %mul3A_90 : vector<256x1xf32>
    %mul3A_92 = arith.mulf %slice3A_78, %sub3A_82 : vector<256x1xf32>
    %add3A_93 = arith.addf %add3A_87, %mul3A_92 : vector<256x1xf32>
    %mul3A_94 = arith.mulf %slice3A_79, %sub3A_83 : vector<256x1xf32>
    %add3A_95 = arith.addf %add3A_91, %mul3A_94 : vector<256x1xf32>
    %exp3A_96 = math.exp %slice3A_80 : vector<256x1xf32>
    %mul3A_97 = arith.mulf %exp3A_96, %sub3A_82 : vector<256x1xf32>
    %exp3A_98 = math.exp %slice3A_81 : vector<256x1xf32>
    %mul3A_99 = arith.mulf %exp3A_98, %sub3A_83 : vector<256x1xf32>
    %mul3A_100 = arith.constant 5.000000e-01 : f32
    %mul3A_101 = vector.broadcast %mul3A_100 : f32 to vector<256x1xf32>
    %mul3A_102 = arith.mulf %mul3A_101, %mul3A_97 : vector<256x1xf32>
    %sub3A_103 = arith.subf %add3A_93, %mul3A_102 : vector<256x1xf32>
    %mul3A_104 = arith.constant 5.000000e-01 : f32
    %mul3A_105 = vector.broadcast %mul3A_104 : f32 to vector<256x1xf32>
    %mul3A_106 = arith.mulf %mul3A_105, %mul3A_99 : vector<256x1xf32>
    %sub3A_107 = arith.subf %add3A_95, %mul3A_106 : vector<256x1xf32>
    %add3A_108 = arith.addf %sub3A_103, %mul3A_97 : vector<256x1xf32>
    %add3A_109 = arith.addf %sub3A_107, %mul3A_99 : vector<256x1xf32>
    %jit3A_110 = arith.constant 0.000000e+00 : f32
    %jit3A_111 = arith.constant 1.024000e+03 : f32
    %max3A_112 = vector.broadcast %jit3A_110 : f32 to vector<256x1xf32>
    %max3A_113 = arith.maximumf %max3A_112, %sub3A_103 : vector<256x1xf32>
    %min3A_114 = vector.broadcast %jit3A_111 : f32 to vector<256x1xf32>
    %min3A_115 = arith.minimumf %min3A_114, %max3A_113 : vector<256x1xf32>
    %jit3A_116 = arith.constant 0.000000e+00 : f32
    %jit3A_117 = arith.constant 1.024000e+03 : f32
    %max3A_118 = vector.broadcast %jit3A_116 : f32 to vector<256x1xf32>
    %max3A_119 = arith.maximumf %max3A_118, %sub3A_107 : vector<256x1xf32>
    %min3A_120 = vector.broadcast %jit3A_117 : f32 to vector<256x1xf32>
    %min3A_121 = arith.minimumf %min3A_120, %max3A_119 : vector<256x1xf32>
    %jit3A_122 = arith.constant 0.000000e+00 : f32
    %jit3A_123 = arith.constant 1.024000e+03 : f32
    %max3A_124 = vector.broadcast %jit3A_122 : f32 to vector<256x1xf32>
    %max3A_125 = arith.maximumf %max3A_124, %add3A_108 : vector<256x1xf32>
    %min3A_126 = vector.broadcast %jit3A_123 : f32 to vector<256x1xf32>
    %min3A_127 = arith.minimumf %min3A_126, %max3A_125 : vector<256x1xf32>
    %jit3A_128 = arith.constant 0.000000e+00 : f32
    %jit3A_129 = arith.constant 1.024000e+03 : f32
    %max3A_130 = vector.broadcast %jit3A_128 : f32 to vector<256x1xf32>
    %max3A_131 = arith.maximumf %max3A_130, %add3A_109 : vector<256x1xf32>
    %min3A_132 = vector.broadcast %jit3A_129 : f32 to vector<256x1xf32>
    %min3A_133 = arith.minimumf %min3A_132, %max3A_131 : vector<256x1xf32>
    %sub3A_134 = arith.subf %min3A_127, %min3A_115 : vector<256x1xf32>
    %sub3A_135 = arith.subf %min3A_133, %min3A_121 : vector<256x1xf32>
    %mul3A_136 = arith.mulf %sub3A_134, %sub3A_135 : vector<256x1xf32>
    %min3A_137 = vector.broadcast %min3A_127 : vector<256x1xf32> to vector<256x2048xf32>
    %min3A_138 = vector.broadcast %min3A_54 : vector<1x2048xf32> to vector<256x2048xf32>
    %min3A_139 = arith.minimumf %min3A_137, %min3A_138 : vector<256x2048xf32>
    %max3A_140 = vector.broadcast %min3A_115 : vector<256x1xf32> to vector<256x2048xf32>
    %max3A_141 = vector.broadcast %min3A_42 : vector<1x2048xf32> to vector<256x2048xf32>
    %max3A_142 = arith.maximumf %max3A_140, %max3A_141 : vector<256x2048xf32>
    %sub3A_143 = arith.subf %min3A_139, %max3A_142 : vector<256x2048xf32>
    %max3A_144 = arith.constant 0.000000e+00 : f32
    %max3A_145 = vector.broadcast %max3A_144 : f32 to vector<256x2048xf32>
    %max3A_146 = arith.maximumf %sub3A_143, %max3A_145 : vector<256x2048xf32>
    %min3A_147 = vector.broadcast %min3A_133 : vector<256x1xf32> to vector<256x2048xf32>
    %min3A_148 = vector.broadcast %min3A_60 : vector<1x2048xf32> to vector<256x2048xf32>
    %min3A_149 = arith.minimumf %min3A_147, %min3A_148 : vector<256x2048xf32>
    %max3A_150 = vector.broadcast %min3A_121 : vector<256x1xf32> to vector<256x2048xf32>
    %max3A_151 = vector.broadcast %min3A_48 : vector<1x2048xf32> to vector<256x2048xf32>
    %max3A_152 = arith.maximumf %max3A_150, %max3A_151 : vector<256x2048xf32>
    %sub3A_153 = arith.subf %min3A_149, %max3A_152 : vector<256x2048xf32>
    %max3A_154 = arith.constant 0.000000e+00 : f32
    %max3A_155 = vector.broadcast %max3A_154 : f32 to vector<256x2048xf32>
    %max3A_156 = arith.maximumf %sub3A_153, %max3A_155 : vector<256x2048xf32>
    %mul3A_157 = arith.mulf %max3A_146, %max3A_156 : vector<256x2048xf32>
    %mul3A_158 = arith.constant 1.700000e+00 : f32
    %mul3A_159 = vector.broadcast %mul3A_158 : f32 to vector<256x2048xf32>
    %mul3A_160 = arith.mulf %mul3A_157, %mul3A_159 : vector<256x2048xf32>
    %add3A_161 = vector.broadcast %mul3A_136 : vector<256x1xf32> to vector<256x2048xf32>
    %add3A_162 = vector.broadcast %mul3A_63 : vector<1x2048xf32> to vector<256x2048xf32>
    %add3A_163 = arith.addf %add3A_161, %add3A_162 : vector<256x2048xf32>
    %add3A_164 = arith.constant 9.99999971E-10 : f32
    %add3A_165 = vector.broadcast %add3A_164 : f32 to vector<256x2048xf32>
    %add3A_166 = arith.addf %add3A_163, %add3A_165 : vector<256x2048xf32>
    %mul3A_167 = arith.constant 0.699999988 : f32
    %mul3A_168 = vector.broadcast %mul3A_167 : f32 to vector<256x2048xf32>
    %mul3A_169 = arith.mulf %mul3A_168, %add3A_166 : vector<256x2048xf32>
    %gt3A = arith.cmpf ogt, %mul3A_160, %mul3A_169 : vector<256x2048xf32>
    %iota3A_170 = tpu.iota {dimensions = array<i32: 0>} : vector<256x1xi32>
    %add3A_171 = arith.constant 0 : i32
    %add3A_172 = vector.broadcast %add3A_171 : i32 to vector<256x1xi32>
    %add3A_173 = arith.addi %iota3A_170, %add3A_172 : vector<256x1xi32>
    %gt3A_174 = vector.broadcast %iota3A : vector<1x2048xi32> to vector<256x2048xi32>
    %gt3A_175 = vector.broadcast %add3A_173 : vector<256x1xi32> to vector<256x2048xi32>
    %gt3A_176 = arith.cmpi sgt, %gt3A_174, %gt3A_175 : vector<256x2048xi32>
    %and3A = arith.andi %gt3A, %gt3A_176 : vector<256x2048xi1>
    %jit3A_177 = arith.constant 1.000000e+00 : f32
    %jit3A_178 = arith.constant 0.000000e+00 : f32
    %broadcast_in_dim3A = vector.broadcast %jit3A_177 : f32 to vector<256x2048xf32>
    %broadcast_in_dim3A_179 = vector.broadcast %jit3A_178 : f32 to vector<256x2048xf32>
    %select_n3A = arith.select %and3A, %broadcast_in_dim3A, %broadcast_in_dim3A_179 : vector<256x2048xi1>, vector<256x2048xf32>
    %reshape3A = vector.shape_cast %select_n3A : vector<256x2048xf32> to vector<2048x256xf32>
    %swap3A = arith.constant 0 : index
    %swap3A_180 = arith.constant 0 : index
    %swap3A_181 = vector.load %arg8[%swap3A, %swap3A_180] : memref<16384x256xf32, #tpu.memory_space<vmem>>, vector<2048x256xf32>
    tpu.vector_store %arg8[%swap3A, %swap3A_180], %reshape3A {strides = array<i32>} : memref<16384x256xf32, #tpu.memory_space<vmem>>, vector<2048x256xf32>,
    %get3A_182 = arith.constant 0 : index
    %get3A_183 = arith.constant 0 : index
    %get3A_184 = arith.constant 0 : index
    %get3A_185 = vector.load %arg3[%get3A_182, %get3A_183, %get3A_184] : memref<1x2048x4xf32, #tpu.memory_space<vmem>>, vector<1x2048x4xf32>
    %get3A_186 = vector.shape_cast %get3A_185 : vector<1x2048x4xf32> to vector<2048x4xf32>
    %get3A_187 = arith.constant 0 : index
    %get3A_188 = arith.constant 0 : index
    %get3A_189 = arith.constant 0 : index
    %get3A_190 = vector.load %arg4[%get3A_187, %get3A_188, %get3A_189] : memref<1x2048x4xf32, #tpu.memory_space<vmem>>, vector<1x2048x4xf32>
    %get3A_191 = vector.shape_cast %get3A_190 : vector<1x2048x4xf32> to vector<2048x4xf32>
    %slice3A_192 = vector.extract_strided_slice %get3A_186 {offsets = [256, 0], sizes = [256, 1], strides = [1, 1]} : vector<2048x4xf32> to vector<256x1xf32>
    %slice3A_193 = vector.extract_strided_slice %get3A_186 {offsets = [256, 1], sizes = [256, 1], strides = [1, 1]} : vector<2048x4xf32> to vector<256x1xf32>
    %slice3A_194 = vector.extract_strided_slice %get3A_186 {offsets = [256, 2], sizes = [256, 1], strides = [1, 1]} : vector<2048x4xf32> to vector<256x1xf32>
    %slice3A_195 = vector.extract_strided_slice %get3A_186 {offsets = [256, 3], sizes = [256, 1], strides = [1, 1]} : vector<2048x4xf32> to vector<256x1xf32>
    %slice3A_196 = vector.extract_strided_slice %get3A_191 {offsets = [256, 0], sizes = [256, 1], strides = [1, 1]} : vector<2048x4xf32> to vector<256x1xf32>
    %slice3A_197 = vector.extract_strided_slice %get3A_191 {offsets = [256, 1], sizes = [256, 1], strides = [1, 1]} : vector<2048x4xf32> to vector<256x1xf32>
    %slice3A_198 = vector.extract_strided_slice %get3A_191 {offsets = [256, 2], sizes = [256, 1], strides = [1, 1]} : vector<2048x4xf32> to vector<256x1xf32>
    %slice3A_199 = vector.extract_strided_slice %get3A_191 {offsets = [256, 3], sizes = [256, 1], strides = [1, 1]} : vector<2048x4xf32> to vector<256x1xf32>
    %sub3A_200 = arith.subf %slice3A_194, %slice3A_192 : vector<256x1xf32>
    %sub3A_201 = arith.subf %slice3A_195, %slice3A_193 : vector<256x1xf32>
    %mul3A_202 = arith.constant 5.000000e-01 : f32
    %mul3A_203 = vector.broadcast %mul3A_202 : f32 to vector<256x1xf32>
    %mul3A_204 = arith.mulf %mul3A_203, %sub3A_200 : vector<256x1xf32>
    %add3A_205 = arith.addf %slice3A_192, %mul3A_204 : vector<256x1xf32>
    %mul3A_206 = arith.constant 5.000000e-01 : f32
    %mul3A_207 = vector.broadcast %mul3A_206 : f32 to vector<256x1xf32>
    %mul3A_208 = arith.mulf %mul3A_207, %sub3A_201 : vector<256x1xf32>
    %add3A_209 = arith.addf %slice3A_193, %mul3A_208 : vector<256x1xf32>
    %mul3A_210 = arith.mulf %slice3A_196, %sub3A_200 : vector<256x1xf32>
    %add3A_211 = arith.addf %add3A_205, %mul3A_210 : vector<256x1xf32>
    %mul3A_212 = arith.mulf %slice3A_197, %sub3A_201 : vector<256x1xf32>
    %add3A_213 = arith.addf %add3A_209, %mul3A_212 : vector<256x1xf32>
    %exp3A_214 = math.exp %slice3A_198 : vector<256x1xf32>
    %mul3A_215 = arith.mulf %exp3A_214, %sub3A_200 : vector<256x1xf32>
    %exp3A_216 = math.exp %slice3A_199 : vector<256x1xf32>
    %mul3A_217 = arith.mulf %exp3A_216, %sub3A_201 : vector<256x1xf32>
    %mul3A_218 = arith.constant 5.000000e-01 : f32
    %mul3A_219 = vector.broadcast %mul3A_218 : f32 to vector<256x1xf32>
    %mul3A_220 = arith.mulf %mul3A_219, %mul3A_215 : vector<256x1xf32>
    %sub3A_221 = arith.subf %add3A_211, %mul3A_220 : vector<256x1xf32>
    %mul3A_222 = arith.constant 5.000000e-01 : f32
    %mul3A_223 = vector.broadcast %mul3A_222 : f32 to vector<256x1xf32>
    %mul3A_224 = arith.mulf %mul3A_223, %mul3A_217 : vector<256x1xf32>
    %sub3A_225 = arith.subf %add3A_213, %mul3A_224 : vector<256x1xf32>
    %add3A_226 = arith.addf %sub3A_221, %mul3A_215 : vector<256x1xf32>
    %add3A_227 = arith.addf %sub3A_225, %mul3A_217 : vector<256x1xf32>
    %jit3A_228 = arith.constant 0.000000e+00 : f32
    %jit3A_229 = arith.constant 1.024000e+03 : f32
    %max3A_230 = vector.broadcast %jit3A_228 : f32 to vector<256x1xf32>
    %max3A_231 = arith.maximumf %max3A_230, %sub3A_221 : vector<256x1xf32>
    %min3A_232 = vector.broadcast %jit3A_229 : f32 to vector<256x1xf32>
    %min3A_233 = arith.minimumf %min3A_232, %max3A_231 : vector<256x1xf32>
    %jit3A_234 = arith.constant 0.000000e+00 : f32
    %jit3A_235 = arith.constant 1.024000e+03 : f32
    %max3A_236 = vector.broadcast %jit3A_234 : f32 to vector<256x1xf32>
    %max3A_237 = arith.maximumf %max3A_236, %sub3A_225 : vector<256x1xf32>
    %min3A_238 = vector.broadcast %jit3A_235 : f32 to vector<256x1xf32>
    %min3A_239 = arith.minimumf %min3A_238, %max3A_237 : vector<256x1xf32>
    %jit3A_240 = arith.constant 0.000000e+00 : f32
    %jit3A_241 = arith.constant 1.024000e+03 : f32
    %max3A_242 = vector.broadcast %jit3A_240 : f32 to vector<256x1xf32>
    %max3A_243 = arith.maximumf %max3A_242, %add3A_226 : vector<256x1xf32>
    %min3A_244 = vector.broadcast %jit3A_241 : f32 to vector<256x1xf32>
    %min3A_245 = arith.minimumf %min3A_244, %max3A_243 : vector<256x1xf32>
    %jit3A_246 = arith.constant 0.000000e+00 : f32
    %jit3A_247 = arith.constant 1.024000e+03 : f32
    %max3A_248 = vector.broadcast %jit3A_246 : f32 to vector<256x1xf32>
    %max3A_249 = arith.maximumf %max3A_248, %add3A_227 : vector<256x1xf32>
    %min3A_250 = vector.broadcast %jit3A_247 : f32 to vector<256x1xf32>
    %min3A_251 = arith.minimumf %min3A_250, %max3A_249 : vector<256x1xf32>
    %sub3A_252 = arith.subf %min3A_245, %min3A_233 : vector<256x1xf32>
    %sub3A_253 = arith.subf %min3A_251, %min3A_239 : vector<256x1xf32>
    %mul3A_254 = arith.mulf %sub3A_252, %sub3A_253 : vector<256x1xf32>
    %min3A_255 = vector.broadcast %min3A_245 : vector<256x1xf32> to vector<256x2048xf32>
    %min3A_256 = vector.broadcast %min3A_54 : vector<1x2048xf32> to vector<256x2048xf32>
    %min3A_257 = arith.minimumf %min3A_255, %min3A_256 : vector<256x2048xf32>
    %max3A_258 = vector.broadcast %min3A_233 : vector<256x1xf32> to vector<256x2048xf32>
    %max3A_259 = vector.broadcast %min3A_42 : vector<1x2048xf32> to vector<256x2048xf32>
    %max3A_260 = arith.maximumf %max3A_258, %max3A_259 : vector<256x2048xf32>
    %sub3A_261 = arith.subf %min3A_257, %max3A_260 : vector<256x2048xf32>
    %max3A_262 = arith.constant 0.000000e+00 : f32
    %max3A_263 = vector.broadcast %max3A_262 : f32 to vector<256x2048xf32>
    %max3A_264 = arith.maximumf %sub3A_261, %max3A_263 : vector<256x2048xf32>
    %min3A_265 = vector.broadcast %min3A_251 : vector<256x1xf32> to vector<256x2048xf32>
    %min3A_266 = vector.broadcast %min3A_60 : vector<1x2048xf32> to vector<256x2048xf32>
    %min3A_267 = arith.minimumf %min3A_265, %min3A_266 : vector<256x2048xf32>
    %max3A_268 = vector.broadcast %min3A_239 : vector<256x1xf32> to vector<256x2048xf32>
    %max3A_269 = vector.broadcast %min3A_48 : vector<1x2048xf32> to vector<256x2048xf32>
    %max3A_270 = arith.maximumf %max3A_268, %max3A_269 : vector<256x2048xf32>
    %sub3A_271 = arith.subf %min3A_267, %max3A_270 : vector<256x2048xf32>
    %max3A_272 = arith.constant 0.000000e+00 : f32
    %max3A_273 = vector.broadcast %max3A_272 : f32 to vector<256x2048xf32>
    %max3A_274 = arith.maximumf %sub3A_271, %max3A_273 : vector<256x2048xf32>
    %mul3A_275 = arith.mulf %max3A_264, %max3A_274 : vector<256x2048xf32>
    %mul3A_276 = arith.constant 1.700000e+00 : f32
    %mul3A_277 = vector.broadcast %mul3A_276 : f32 to vector<256x2048xf32>
    %mul3A_278 = arith.mulf %mul3A_275, %mul3A_277 : vector<256x2048xf32>
    %add3A_279 = vector.broadcast %mul3A_254 : vector<256x1xf32> to vector<256x2048xf32>
    %add3A_280 = vector.broadcast %mul3A_63 : vector<1x2048xf32> to vector<256x2048xf32>
    %add3A_281 = arith.addf %add3A_279, %add3A_280 : vector<256x2048xf32>
    %add3A_282 = arith.constant 9.99999971E-10 : f32
    %add3A_283 = vector.broadcast %add3A_282 : f32 to vector<256x2048xf32>
    %add3A_284 = arith.addf %add3A_281, %add3A_283 : vector<256x2048xf32>
    %mul3A_285 = arith.constant 0.699999988 : f32
    %mul3A_286 = vector.broadcast %mul3A_285 : f32 to vector<256x2048xf32>
    %mul3A_287 = arith.mulf %mul3A_286, %add3A_284 : vector<256x2048xf32>
    %gt3A_288 = arith.cmpf ogt, %mul3A_278, %mul3A_287 : vector<256x2048xf32>
    %iota3A_289 = tpu.iota {dimensions = array<i32: 0>} : vector<256x1xi32>
    %add3A_290 = arith.constant 256 : i32
    %add3A_291 = vector.broadcast %add3A_290 : i32 to vector<256x1xi32>
    %add3A_292 = arith.addi %iota3A_289, %add3A_291 : vector<256x1xi32>
    %gt3A_293 = vector.broadcast %iota3A : vector<1x2048xi32> to vector<256x2048xi32>
    %gt3A_294 = vector.broadcast %add3A_292 : vector<256x1xi32> to vector<256x2048xi32>
    %gt3A_295 = arith.cmpi sgt, %gt3A_293, %gt3A_294 : vector<256x2048xi32>
    %and3A_296 = arith.andi %gt3A_288, %gt3A_295 : vector<256x2048xi1>
    %jit3A_297 = arith.constant 1.000000e+00 : f32
    %jit3A_298 = arith.constant 0.000000e+00 : f32
    %broadcast_in_dim3A_299 = vector.broadcast %jit3A_297 : f32 to vector<256x2048xf32>
    %broadcast_in_dim3A_300 = vector.broadcast %jit3A_298 : f32 to vector<256x2048xf32>
    %select_n3A_301 = arith.select %and3A_296, %broadcast_in_dim3A_299, %broadcast_in_dim3A_300 : vector<256x2048xi1>, vector<256x2048xf32>
    %reshape3A_302 = vector.shape_cast %select_n3A_301 : vector<256x2048xf32> to vector<2048x256xf32>
    %swap3A_303 = arith.constant 2048 : index
    %swap3A_304 = arith.constant 0 : index
    %swap3A_305 = vector.load %arg8[%swap3A_303, %swap3A_304] : memref<16384x256xf32, #tpu.memory_space<vmem>>, vector<2048x256xf32>
    tpu.vector_store %arg8[%swap3A_303, %swap3A_304], %reshape3A_302 {strides = array<i32>} : memref<16384x256xf32, #tpu.memory_space<vmem>>, vector<2048x256xf32>,
    %get3A_306 = arith.constant 0 : index
    %get3A_307 = arith.constant 0 : index
    %get3A_308 = arith.constant 0 : index
    %get3A_309 = vector.load %arg3[%get3A_306, %get3A_307, %get3A_308] : memref<1x2048x4xf32, #tpu.memory_space<vmem>>, vector<1x2048x4xf32>
    %get3A_310 = vector.shape_cast %get3A_309 : vector<1x2048x4xf32> to vector<2048x4xf32>
    %get3A_311 = arith.constant 0 : index
    %get3A_312 = arith.constant 0 : index
    %get3A_313 = arith.constant 0 : index
    %get3A_314 = vector.load %arg4[%get3A_311, %get3A_312, %get3A_313] : memref<1x2048x4xf32, #tpu.memory_space<vmem>>, vector<1x2048x4xf32>
    %get3A_315 = vector.shape_cast %get3A_314 : vector<1x2048x4xf32> to vector<2048x4xf32>
    %slice3A_316 = vector.extract_strided_slice %get3A_310 {offsets = [512, 0], sizes = [256, 1], strides = [1, 1]} : vector<2048x4xf32> to vector<256x1xf32>
    %slice3A_317 = vector.extract_strided_slice %get3A_310 {offsets = [512, 1], sizes = [256, 1], strides = [1, 1]} : vector<2048x4xf32> to vector<256x1xf32>
    %slice3A_318 = vector.extract_strided_slice %get3A_310 {offsets = [512, 2], sizes = [256, 1], strides = [1, 1]} : vector<2048x4xf32> to vector<256x1xf32>
    %slice3A_319 = vector.extract_strided_slice %get3A_310 {offsets = [512, 3], sizes = [256, 1], strides = [1, 1]} : vector<2048x4xf32> to vector<256x1xf32>
    %slice3A_320 = vector.extract_strided_slice %get3A_315 {offsets = [512, 0], sizes = [256, 1], strides = [1, 1]} : vector<2048x4xf32> to vector<256x1xf32>
    %slice3A_321 = vector.extract_strided_slice %get3A_315 {offsets = [512, 1], sizes = [256, 1], strides = [1, 1]} : vector<2048x4xf32> to vector<256x1xf32>
    %slice3A_322 = vector.extract_strided_slice %get3A_315 {offsets = [512, 2], sizes = [256, 1], strides = [1, 1]} : vector<2048x4xf32> to vector<256x1xf32>
    %slice3A_323 = vector.extract_strided_slice %get3A_315 {offsets = [512, 3], sizes = [256, 1], strides = [1, 1]} : vector<2048x4xf32> to vector<256x1xf32>
    %sub3A_324 = arith.subf %slice3A_318, %slice3A_316 : vector<256x1xf32>
    %sub3A_325 = arith.subf %slice3A_319, %slice3A_317 : vector<256x1xf32>
    %mul3A_326 = arith.constant 5.000000e-01 : f32
    %mul3A_327 = vector.broadcast %mul3A_326 : f32 to vector<256x1xf32>
    %mul3A_328 = arith.mulf %mul3A_327, %sub3A_324 : vector<256x1xf32>
    %add3A_329 = arith.addf %slice3A_316, %mul3A_328 : vector<256x1xf32>
    %mul3A_330 = arith.constant 5.000000e-01 : f32
    %mul3A_331 = vector.broadcast %mul3A_330 : f32 to vector<256x1xf32>
    %mul3A_332 = arith.mulf %mul3A_331, %sub3A_325 : vector<256x1xf32>
    %add3A_333 = arith.addf %slice3A_317, %mul3A_332 : vector<256x1xf32>
    %mul3A_334 = arith.mulf %slice3A_320, %sub3A_324 : vector<256x1xf32>
    %add3A_335 = arith.addf %add3A_329, %mul3A_334 : vector<256x1xf32>
    %mul3A_336 = arith.mulf %slice3A_321, %sub3A_325 : vector<256x1xf32>
    %add3A_337 = arith.addf %add3A_333, %mul3A_336 : vector<256x1xf32>
    %exp3A_338 = math.exp %slice3A_322 : vector<256x1xf32>
    %mul3A_339 = arith.mulf %exp3A_338, %sub3A_324 : vector<256x1xf32>
    %exp3A_340 = math.exp %slice3A_323 : vector<256x1xf32>
    %mul3A_341 = arith.mulf %exp3A_340, %sub3A_325 : vector<256x1xf32>
    %mul3A_342 = arith.constant 5.000000e-01 : f32
    %mul3A_343 = vector.broadcast %mul3A_342 : f32 to vector<256x1xf32>
    %mul3A_344 = arith.mulf %mul3A_343, %mul3A_339 : vector<256x1xf32>
    %sub3A_345 = arith.subf %add3A_335, %mul3A_344 : vector<256x1xf32>
    %mul3A_346 = arith.constant 5.000000e-01 : f32
    %mul3A_347 = vector.broadcast %mul3A_346 : f32 to vector<256x1xf32>
    %mul3A_348 = arith.mulf %mul3A_347, %mul3A_341 : vector<256x1xf32>
    %sub3A_349 = arith.subf %add3A_337, %mul3A_348 : vector<256x1xf32>
    %add3A_350 = arith.addf %sub3A_345, %mul3A_339 : vector<256x1xf32>
    %add3A_351 = arith.addf %sub3A_349, %mul3A_341 : vector<256x1xf32>
    %jit3A_352 = arith.constant 0.000000e+00 : f32
    %jit3A_353 = arith.constant 1.024000e+03 : f32
    %max3A_354 = vector.broadcast %jit3A_352 : f32 to vector<256x1xf32>
    %max3A_355 = arith.maximumf %max3A_354, %sub3A_345 : vector<256x1xf32>
    %min3A_356 = vector.broadcast %jit3A_353 : f32 to vector<256x1xf32>
    %min3A_357 = arith.minimumf %min3A_356, %max3A_355 : vector<256x1xf32>
    %jit3A_358 = arith.constant 0.000000e+00 : f32
    %jit3A_359 = arith.constant 1.024000e+03 : f32
    %max3A_360 = vector.broadcast %jit3A_358 : f32 to vector<256x1xf32>
    %max3A_361 = arith.maximumf %max3A_360, %sub3A_349 : vector<256x1xf32>
    %min3A_362 = vector.broadcast %jit3A_359 : f32 to vector<256x1xf32>
    %min3A_363 = arith.minimumf %min3A_362, %max3A_361 : vector<256x1xf32>
    %jit3A_364 = arith.constant 0.000000e+00 : f32
    %jit3A_365 = arith.constant 1.024000e+03 : f32
    %max3A_366 = vector.broadcast %jit3A_364 : f32 to vector<256x1xf32>
    %max3A_367 = arith.maximumf %max3A_366, %add3A_350 : vector<256x1xf32>
    %min3A_368 = vector.broadcast %jit3A_365 : f32 to vector<256x1xf32>
    %min3A_369 = arith.minimumf %min3A_368, %max3A_367 : vector<256x1xf32>
    %jit3A_370 = arith.constant 0.000000e+00 : f32
    %jit3A_371 = arith.constant 1.024000e+03 : f32
    %max3A_372 = vector.broadcast %jit3A_370 : f32 to vector<256x1xf32>
    %max3A_373 = arith.maximumf %max3A_372, %add3A_351 : vector<256x1xf32>
    %min3A_374 = vector.broadcast %jit3A_371 : f32 to vector<256x1xf32>
    %min3A_375 = arith.minimumf %min3A_374, %max3A_373 : vector<256x1xf32>
    %sub3A_376 = arith.subf %min3A_369, %min3A_357 : vector<256x1xf32>
    %sub3A_377 = arith.subf %min3A_375, %min3A_363 : vector<256x1xf32>
    %mul3A_378 = arith.mulf %sub3A_376, %sub3A_377 : vector<256x1xf32>
    %min3A_379 = vector.broadcast %min3A_369 : vector<256x1xf32> to vector<256x2048xf32>
    %min3A_380 = vector.broadcast %min3A_54 : vector<1x2048xf32> to vector<256x2048xf32>
    %min3A_381 = arith.minimumf %min3A_379, %min3A_380 : vector<256x2048xf32>
    %max3A_382 = vector.broadcast %min3A_357 : vector<256x1xf32> to vector<256x2048xf32>
    %max3A_383 = vector.broadcast %min3A_42 : vector<1x2048xf32> to vector<256x2048xf32>
    %max3A_384 = arith.maximumf %max3A_382, %max3A_383 : vector<256x2048xf32>
    %sub3A_385 = arith.subf %min3A_381, %max3A_384 : vector<256x2048xf32>
    %max3A_386 = arith.constant 0.000000e+00 : f32
    %max3A_387 = vector.broadcast %max3A_386 : f32 to vector<256x2048xf32>
    %max3A_388 = arith.maximumf %sub3A_385, %max3A_387 : vector<256x2048xf32>
    %min3A_389 = vector.broadcast %min3A_375 : vector<256x1xf32> to vector<256x2048xf32>
    %min3A_390 = vector.broadcast %min3A_60 : vector<1x2048xf32> to vector<256x2048xf32>
    %min3A_391 = arith.minimumf %min3A_389, %min3A_390 : vector<256x2048xf32>
    %max3A_392 = vector.broadcast %min3A_363 : vector<256x1xf32> to vector<256x2048xf32>
    %max3A_393 = vector.broadcast %min3A_48 : vector<1x2048xf32> to vector<256x2048xf32>
    %max3A_394 = arith.maximumf %max3A_392, %max3A_393 : vector<256x2048xf32>
    %sub3A_395 = arith.subf %min3A_391, %max3A_394 : vector<256x2048xf32>
    %max3A_396 = arith.constant 0.000000e+00 : f32
    %max3A_397 = vector.broadcast %max3A_396 : f32 to vector<256x2048xf32>
    %max3A_398 = arith.maximumf %sub3A_395, %max3A_397 : vector<256x2048xf32>
    %mul3A_399 = arith.mulf %max3A_388, %max3A_398 : vector<256x2048xf32>
    %mul3A_400 = arith.constant 1.700000e+00 : f32
    %mul3A_401 = vector.broadcast %mul3A_400 : f32 to vector<256x2048xf32>
    %mul3A_402 = arith.mulf %mul3A_399, %mul3A_401 : vector<256x2048xf32>
    %add3A_403 = vector.broadcast %mul3A_378 : vector<256x1xf32> to vector<256x2048xf32>
    %add3A_404 = vector.broadcast %mul3A_63 : vector<1x2048xf32> to vector<256x2048xf32>
    %add3A_405 = arith.addf %add3A_403, %add3A_404 : vector<256x2048xf32>
    %add3A_406 = arith.constant 9.99999971E-10 : f32
    %add3A_407 = vector.broadcast %add3A_406 : f32 to vector<256x2048xf32>
    %add3A_408 = arith.addf %add3A_405, %add3A_407 : vector<256x2048xf32>
    %mul3A_409 = arith.constant 0.699999988 : f32
    %mul3A_410 = vector.broadcast %mul3A_409 : f32 to vector<256x2048xf32>
    %mul3A_411 = arith.mulf %mul3A_410, %add3A_408 : vector<256x2048xf32>
    %gt3A_412 = arith.cmpf ogt, %mul3A_402, %mul3A_411 : vector<256x2048xf32>
    %iota3A_413 = tpu.iota {dimensions = array<i32: 0>} : vector<256x1xi32>
    %add3A_414 = arith.constant 512 : i32
    %add3A_415 = vector.broadcast %add3A_414 : i32 to vector<256x1xi32>
    %add3A_416 = arith.addi %iota3A_413, %add3A_415 : vector<256x1xi32>
    %gt3A_417 = vector.broadcast %iota3A : vector<1x2048xi32> to vector<256x2048xi32>
    %gt3A_418 = vector.broadcast %add3A_416 : vector<256x1xi32> to vector<256x2048xi32>
    %gt3A_419 = arith.cmpi sgt, %gt3A_417, %gt3A_418 : vector<256x2048xi32>
    %and3A_420 = arith.andi %gt3A_412, %gt3A_419 : vector<256x2048xi1>
    %jit3A_421 = arith.constant 1.000000e+00 : f32
    %jit3A_422 = arith.constant 0.000000e+00 : f32
    %broadcast_in_dim3A_423 = vector.broadcast %jit3A_421 : f32 to vector<256x2048xf32>
    %broadcast_in_dim3A_424 = vector.broadcast %jit3A_422 : f32 to vector<256x2048xf32>
    %select_n3A_425 = arith.select %and3A_420, %broadcast_in_dim3A_423, %broadcast_in_dim3A_424 : vector<256x2048xi1>, vector<256x2048xf32>
    %reshape3A_426 = vector.shape_cast %select_n3A_425 : vector<256x2048xf32> to vector<2048x256xf32>
    %swap3A_427 = arith.constant 4096 : index
    %swap3A_428 = arith.constant 0 : index
    %swap3A_429 = vector.load %arg8[%swap3A_427, %swap3A_428] : memref<16384x256xf32, #tpu.memory_space<vmem>>, vector<2048x256xf32>
    tpu.vector_store %arg8[%swap3A_427, %swap3A_428], %reshape3A_426 {strides = array<i32>} : memref<16384x256xf32, #tpu.memory_space<vmem>>, vector<2048x256xf32>,
    %get3A_430 = arith.constant 0 : index
    %get3A_431 = arith.constant 0 : index
    %get3A_432 = arith.constant 0 : index
    %get3A_433 = vector.load %arg3[%get3A_430, %get3A_431, %get3A_432] : memref<1x2048x4xf32, #tpu.memory_space<vmem>>, vector<1x2048x4xf32>
    %get3A_434 = vector.shape_cast %get3A_433 : vector<1x2048x4xf32> to vector<2048x4xf32>
    %get3A_435 = arith.constant 0 : index
    %get3A_436 = arith.constant 0 : index
    %get3A_437 = arith.constant 0 : index
    %get3A_438 = vector.load %arg4[%get3A_435, %get3A_436, %get3A_437] : memref<1x2048x4xf32, #tpu.memory_space<vmem>>, vector<1x2048x4xf32>
    %get3A_439 = vector.shape_cast %get3A_438 : vector<1x2048x4xf32> to vector<2048x4xf32>
    %slice3A_440 = vector.extract_strided_slice %get3A_434 {offsets = [768, 0], sizes = [256, 1], strides = [1, 1]} : vector<2048x4xf32> to vector<256x1xf32>
    %slice3A_441 = vector.extract_strided_slice %get3A_434 {offsets = [768, 1], sizes = [256, 1], strides = [1, 1]} : vector<2048x4xf32> to vector<256x1xf32>
    %slice3A_442 = vector.extract_strided_slice %get3A_434 {offsets = [768, 2], sizes = [256, 1], strides = [1, 1]} : vector<2048x4xf32> to vector<256x1xf32>
    %slice3A_443 = vector.extract_strided_slice %get3A_434 {offsets = [768, 3], sizes = [256, 1], strides = [1, 1]} : vector<2048x4xf32> to vector<256x1xf32>
    %slice3A_444 = vector.extract_strided_slice %get3A_439 {offsets = [768, 0], sizes = [256, 1], strides = [1, 1]} : vector<2048x4xf32> to vector<256x1xf32>
    %slice3A_445 = vector.extract_strided_slice %get3A_439 {offsets = [768, 1], sizes = [256, 1], strides = [1, 1]} : vector<2048x4xf32> to vector<256x1xf32>
    %slice3A_446 = vector.extract_strided_slice %get3A_439 {offsets = [768, 2], sizes = [256, 1], strides = [1, 1]} : vector<2048x4xf32> to vector<256x1xf32>
    %slice3A_447 = vector.extract_strided_slice %get3A_439 {offsets = [768, 3], sizes = [256, 1], strides = [1, 1]} : vector<2048x4xf32> to vector<256x1xf32>
    %sub3A_448 = arith.subf %slice3A_442, %slice3A_440 : vector<256x1xf32>
    %sub3A_449 = arith.subf %slice3A_443, %slice3A_441 : vector<256x1xf32>
    %mul3A_450 = arith.constant 5.000000e-01 : f32
    %mul3A_451 = vector.broadcast %mul3A_450 : f32 to vector<256x1xf32>
    %mul3A_452 = arith.mulf %mul3A_451, %sub3A_448 : vector<256x1xf32>
    %add3A_453 = arith.addf %slice3A_440, %mul3A_452 : vector<256x1xf32>
    %mul3A_454 = arith.constant 5.000000e-01 : f32
    %mul3A_455 = vector.broadcast %mul3A_454 : f32 to vector<256x1xf32>
    %mul3A_456 = arith.mulf %mul3A_455, %sub3A_449 : vector<256x1xf32>
    %add3A_457 = arith.addf %slice3A_441, %mul3A_456 : vector<256x1xf32>
    %mul3A_458 = arith.mulf %slice3A_444, %sub3A_448 : vector<256x1xf32>
    %add3A_459 = arith.addf %add3A_453, %mul3A_458 : vector<256x1xf32>
    %mul3A_460 = arith.mulf %slice3A_445, %sub3A_449 : vector<256x1xf32>
    %add3A_461 = arith.addf %add3A_457, %mul3A_460 : vector<256x1xf32>
    %exp3A_462 = math.exp %slice3A_446 : vector<256x1xf32>
    %mul3A_463 = arith.mulf %exp3A_462, %sub3A_448 : vector<256x1xf32>
    %exp3A_464 = math.exp %slice3A_447 : vector<256x1xf32>
    %mul3A_465 = arith.mulf %exp3A_464, %sub3A_449 : vector<256x1xf32>
    %mul3A_466 = arith.constant 5.000000e-01 : f32
    %mul3A_467 = vector.broadcast %mul3A_466 : f32 to vector<256x1xf32>
    %mul3A_468 = arith.mulf %mul3A_467, %mul3A_463 : vector<256x1xf32>
    %sub3A_469 = arith.subf %add3A_459, %mul3A_468 : vector<256x1xf32>
    %mul3A_470 = arith.constant 5.000000e-01 : f32
    %mul3A_471 = vector.broadcast %mul3A_470 : f32 to vector<256x1xf32>
    %mul3A_472 = arith.mulf %mul3A_471, %mul3A_465 : vector<256x1xf32>
    %sub3A_473 = arith.subf %add3A_461, %mul3A_472 : vector<256x1xf32>
    %add3A_474 = arith.addf %sub3A_469, %mul3A_463 : vector<256x1xf32>
    %add3A_475 = arith.addf %sub3A_473, %mul3A_465 : vector<256x1xf32>
    %jit3A_476 = arith.constant 0.000000e+00 : f32
    %jit3A_477 = arith.constant 1.024000e+03 : f32
    %max3A_478 = vector.broadcast %jit3A_476 : f32 to vector<256x1xf32>
    %max3A_479 = arith.maximumf %max3A_478, %sub3A_469 : vector<256x1xf32>
    %min3A_480 = vector.broadcast %jit3A_477 : f32 to vector<256x1xf32>
    %min3A_481 = arith.minimumf %min3A_480, %max3A_479 : vector<256x1xf32>
    %jit3A_482 = arith.constant 0.000000e+00 : f32
    %jit3A_483 = arith.constant 1.024000e+03 : f32
    %max3A_484 = vector.broadcast %jit3A_482 : f32 to vector<256x1xf32>
    %max3A_485 = arith.maximumf %max3A_484, %sub3A_473 : vector<256x1xf32>
    %min3A_486 = vector.broadcast %jit3A_483 : f32 to vector<256x1xf32>
    %min3A_487 = arith.minimumf %min3A_486, %max3A_485 : vector<256x1xf32>
    %jit3A_488 = arith.constant 0.000000e+00 : f32
    %jit3A_489 = arith.constant 1.024000e+03 : f32
    %max3A_490 = vector.broadcast %jit3A_488 : f32 to vector<256x1xf32>
    %max3A_491 = arith.maximumf %max3A_490, %add3A_474 : vector<256x1xf32>
    %min3A_492 = vector.broadcast %jit3A_489 : f32 to vector<256x1xf32>
    %min3A_493 = arith.minimumf %min3A_492, %max3A_491 : vector<256x1xf32>
    %jit3A_494 = arith.constant 0.000000e+00 : f32
    %jit3A_495 = arith.constant 1.024000e+03 : f32
    %max3A_496 = vector.broadcast %jit3A_494 : f32 to vector<256x1xf32>
    %max3A_497 = arith.maximumf %max3A_496, %add3A_475 : vector<256x1xf32>
    %min3A_498 = vector.broadcast %jit3A_495 : f32 to vector<256x1xf32>
    %min3A_499 = arith.minimumf %min3A_498, %max3A_497 : vector<256x1xf32>
    %sub3A_500 = arith.subf %min3A_493, %min3A_481 : vector<256x1xf32>
    %sub3A_501 = arith.subf %min3A_499, %min3A_487 : vector<256x1xf32>
    %mul3A_502 = arith.mulf %sub3A_500, %sub3A_501 : vector<256x1xf32>
    %min3A_503 = vector.broadcast %min3A_493 : vector<256x1xf32> to vector<256x2048xf32>
    %min3A_504 = vector.broadcast %min3A_54 : vector<1x2048xf32> to vector<256x2048xf32>
    %min3A_505 = arith.minimumf %min3A_503, %min3A_504 : vector<256x2048xf32>
    %max3A_506 = vector.broadcast %min3A_481 : vector<256x1xf32> to vector<256x2048xf32>
    %max3A_507 = vector.broadcast %min3A_42 : vector<1x2048xf32> to vector<256x2048xf32>
    %max3A_508 = arith.maximumf %max3A_506, %max3A_507 : vector<256x2048xf32>
    %sub3A_509 = arith.subf %min3A_505, %max3A_508 : vector<256x2048xf32>
    %max3A_510 = arith.constant 0.000000e+00 : f32
    %max3A_511 = vector.broadcast %max3A_510 : f32 to vector<256x2048xf32>
    %max3A_512 = arith.maximumf %sub3A_509, %max3A_511 : vector<256x2048xf32>
    %min3A_513 = vector.broadcast %min3A_499 : vector<256x1xf32> to vector<256x2048xf32>
    %min3A_514 = vector.broadcast %min3A_60 : vector<1x2048xf32> to vector<256x2048xf32>
    %min3A_515 = arith.minimumf %min3A_513, %min3A_514 : vector<256x2048xf32>
    %max3A_516 = vector.broadcast %min3A_487 : vector<256x1xf32> to vector<256x2048xf32>
    %max3A_517 = vector.broadcast %min3A_48 : vector<1x2048xf32> to vector<256x2048xf32>
    %max3A_518 = arith.maximumf %max3A_516, %max3A_517 : vector<256x2048xf32>
    %sub3A_519 = arith.subf %min3A_515, %max3A_518 : vector<256x2048xf32>
    %max3A_520 = arith.constant 0.000000e+00 : f32
    %max3A_521 = vector.broadcast %max3A_520 : f32 to vector<256x2048xf32>
    %max3A_522 = arith.maximumf %sub3A_519, %max3A_521 : vector<256x2048xf32>
    %mul3A_523 = arith.mulf %max3A_512, %max3A_522 : vector<256x2048xf32>
    %mul3A_524 = arith.constant 1.700000e+00 : f32
    %mul3A_525 = vector.broadcast %mul3A_524 : f32 to vector<256x2048xf32>
    %mul3A_526 = arith.mulf %mul3A_523, %mul3A_525 : vector<256x2048xf32>
    %add3A_527 = vector.broadcast %mul3A_502 : vector<256x1xf32> to vector<256x2048xf32>
    %add3A_528 = vector.broadcast %mul3A_63 : vector<1x2048xf32> to vector<256x2048xf32>
    %add3A_529 = arith.addf %add3A_527, %add3A_528 : vector<256x2048xf32>
    %add3A_530 = arith.constant 9.99999971E-10 : f32
    %add3A_531 = vector.broadcast %add3A_530 : f32 to vector<256x2048xf32>
    %add3A_532 = arith.addf %add3A_529, %add3A_531 : vector<256x2048xf32>
    %mul3A_533 = arith.constant 0.699999988 : f32
    %mul3A_534 = vector.broadcast %mul3A_533 : f32 to vector<256x2048xf32>
    %mul3A_535 = arith.mulf %mul3A_534, %add3A_532 : vector<256x2048xf32>
    %gt3A_536 = arith.cmpf ogt, %mul3A_526, %mul3A_535 : vector<256x2048xf32>
    %iota3A_537 = tpu.iota {dimensions = array<i32: 0>} : vector<256x1xi32>
    %add3A_538 = arith.constant 768 : i32
    %add3A_539 = vector.broadcast %add3A_538 : i32 to vector<256x1xi32>
    %add3A_540 = arith.addi %iota3A_537, %add3A_539 : vector<256x1xi32>
    %gt3A_541 = vector.broadcast %iota3A : vector<1x2048xi32> to vector<256x2048xi32>
    %gt3A_542 = vector.broadcast %add3A_540 : vector<256x1xi32> to vector<256x2048xi32>
    %gt3A_543 = arith.cmpi sgt, %gt3A_541, %gt3A_542 : vector<256x2048xi32>
    %and3A_544 = arith.andi %gt3A_536, %gt3A_543 : vector<256x2048xi1>
    %jit3A_545 = arith.constant 1.000000e+00 : f32
    %jit3A_546 = arith.constant 0.000000e+00 : f32
    %broadcast_in_dim3A_547 = vector.broadcast %jit3A_545 : f32 to vector<256x2048xf32>
    %broadcast_in_dim3A_548 = vector.broadcast %jit3A_546 : f32 to vector<256x2048xf32>
    %select_n3A_549 = arith.select %and3A_544, %broadcast_in_dim3A_547, %broadcast_in_dim3A_548 : vector<256x2048xi1>, vector<256x2048xf32>
    %reshape3A_550 = vector.shape_cast %select_n3A_549 : vector<256x2048xf32> to vector<2048x256xf32>
    %swap3A_551 = arith.constant 6144 : index
    %swap3A_552 = arith.constant 0 : index
    %swap3A_553 = vector.load %arg8[%swap3A_551, %swap3A_552] : memref<16384x256xf32, #tpu.memory_space<vmem>>, vector<2048x256xf32>
    tpu.vector_store %arg8[%swap3A_551, %swap3A_552], %reshape3A_550 {strides = array<i32>} : memref<16384x256xf32, #tpu.memory_space<vmem>>, vector<2048x256xf32>,
    %get3A_554 = arith.constant 0 : index
    %get3A_555 = arith.constant 0 : index
    %get3A_556 = arith.constant 0 : index
    %get3A_557 = vector.load %arg3[%get3A_554, %get3A_555, %get3A_556] : memref<1x2048x4xf32, #tpu.memory_space<vmem>>, vector<1x2048x4xf32>
    %get3A_558 = vector.shape_cast %get3A_557 : vector<1x2048x4xf32> to vector<2048x4xf32>
    %get3A_559 = arith.constant 0 : index
    %get3A_560 = arith.constant 0 : index
    %get3A_561 = arith.constant 0 : index
    %get3A_562 = vector.load %arg4[%get3A_559, %get3A_560, %get3A_561] : memref<1x2048x4xf32, #tpu.memory_space<vmem>>, vector<1x2048x4xf32>
    %get3A_563 = vector.shape_cast %get3A_562 : vector<1x2048x4xf32> to vector<2048x4xf32>
    %slice3A_564 = vector.extract_strided_slice %get3A_558 {offsets = [1024, 0], sizes = [256, 1], strides = [1, 1]} : vector<2048x4xf32> to vector<256x1xf32>
    %slice3A_565 = vector.extract_strided_slice %get3A_558 {offsets = [1024, 1], sizes = [256, 1], strides = [1, 1]} : vector<2048x4xf32> to vector<256x1xf32>
    %slice3A_566 = vector.extract_strided_slice %get3A_558 {offsets = [1024, 2], sizes = [256, 1], strides = [1, 1]} : vector<2048x4xf32> to vector<256x1xf32>
    %slice3A_567 = vector.extract_strided_slice %get3A_558 {offsets = [1024, 3], sizes = [256, 1], strides = [1, 1]} : vector<2048x4xf32> to vector<256x1xf32>
    %slice3A_568 = vector.extract_strided_slice %get3A_563 {offsets = [1024, 0], sizes = [256, 1], strides = [1, 1]} : vector<2048x4xf32> to vector<256x1xf32>
    %slice3A_569 = vector.extract_strided_slice %get3A_563 {offsets = [1024, 1], sizes = [256, 1], strides = [1, 1]} : vector<2048x4xf32> to vector<256x1xf32>
    %slice3A_570 = vector.extract_strided_slice %get3A_563 {offsets = [1024, 2], sizes = [256, 1], strides = [1, 1]} : vector<2048x4xf32> to vector<256x1xf32>
    %slice3A_571 = vector.extract_strided_slice %get3A_563 {offsets = [1024, 3], sizes = [256, 1], strides = [1, 1]} : vector<2048x4xf32> to vector<256x1xf32>
    %sub3A_572 = arith.subf %slice3A_566, %slice3A_564 : vector<256x1xf32>
    %sub3A_573 = arith.subf %slice3A_567, %slice3A_565 : vector<256x1xf32>
    %mul3A_574 = arith.constant 5.000000e-01 : f32
    %mul3A_575 = vector.broadcast %mul3A_574 : f32 to vector<256x1xf32>
    %mul3A_576 = arith.mulf %mul3A_575, %sub3A_572 : vector<256x1xf32>
    %add3A_577 = arith.addf %slice3A_564, %mul3A_576 : vector<256x1xf32>
    %mul3A_578 = arith.constant 5.000000e-01 : f32
    %mul3A_579 = vector.broadcast %mul3A_578 : f32 to vector<256x1xf32>
    %mul3A_580 = arith.mulf %mul3A_579, %sub3A_573 : vector<256x1xf32>
    %add3A_581 = arith.addf %slice3A_565, %mul3A_580 : vector<256x1xf32>
    %mul3A_582 = arith.mulf %slice3A_568, %sub3A_572 : vector<256x1xf32>
    %add3A_583 = arith.addf %add3A_577, %mul3A_582 : vector<256x1xf32>
    %mul3A_584 = arith.mulf %slice3A_569, %sub3A_573 : vector<256x1xf32>
    %add3A_585 = arith.addf %add3A_581, %mul3A_584 : vector<256x1xf32>
    %exp3A_586 = math.exp %slice3A_570 : vector<256x1xf32>
    %mul3A_587 = arith.mulf %exp3A_586, %sub3A_572 : vector<256x1xf32>
    %exp3A_588 = math.exp %slice3A_571 : vector<256x1xf32>
    %mul3A_589 = arith.mulf %exp3A_588, %sub3A_573 : vector<256x1xf32>
    %mul3A_590 = arith.constant 5.000000e-01 : f32
    %mul3A_591 = vector.broadcast %mul3A_590 : f32 to vector<256x1xf32>
    %mul3A_592 = arith.mulf %mul3A_591, %mul3A_587 : vector<256x1xf32>
    %sub3A_593 = arith.subf %add3A_583, %mul3A_592 : vector<256x1xf32>
    %mul3A_594 = arith.constant 5.000000e-01 : f32
    %mul3A_595 = vector.broadcast %mul3A_594 : f32 to vector<256x1xf32>
    %mul3A_596 = arith.mulf %mul3A_595, %mul3A_589 : vector<256x1xf32>
    %sub3A_597 = arith.subf %add3A_585, %mul3A_596 : vector<256x1xf32>
    %add3A_598 = arith.addf %sub3A_593, %mul3A_587 : vector<256x1xf32>
    %add3A_599 = arith.addf %sub3A_597, %mul3A_589 : vector<256x1xf32>
    %jit3A_600 = arith.constant 0.000000e+00 : f32
    %jit3A_601 = arith.constant 1.024000e+03 : f32
    %max3A_602 = vector.broadcast %jit3A_600 : f32 to vector<256x1xf32>
    %max3A_603 = arith.maximumf %max3A_602, %sub3A_593 : vector<256x1xf32>
    %min3A_604 = vector.broadcast %jit3A_601 : f32 to vector<256x1xf32>
    %min3A_605 = arith.minimumf %min3A_604, %max3A_603 : vector<256x1xf32>
    %jit3A_606 = arith.constant 0.000000e+00 : f32
    %jit3A_607 = arith.constant 1.024000e+03 : f32
    %max3A_608 = vector.broadcast %jit3A_606 : f32 to vector<256x1xf32>
    %max3A_609 = arith.maximumf %max3A_608, %sub3A_597 : vector<256x1xf32>
    %min3A_610 = vector.broadcast %jit3A_607 : f32 to vector<256x1xf32>
    %min3A_611 = arith.minimumf %min3A_610, %max3A_609 : vector<256x1xf32>
    %jit3A_612 = arith.constant 0.000000e+00 : f32
    %jit3A_613 = arith.constant 1.024000e+03 : f32
    %max3A_614 = vector.broadcast %jit3A_612 : f32 to vector<256x1xf32>
    %max3A_615 = arith.maximumf %max3A_614, %add3A_598 : vector<256x1xf32>
    %min3A_616 = vector.broadcast %jit3A_613 : f32 to vector<256x1xf32>
    %min3A_617 = arith.minimumf %min3A_616, %max3A_615 : vector<256x1xf32>
    %jit3A_618 = arith.constant 0.000000e+00 : f32
    %jit3A_619 = arith.constant 1.024000e+03 : f32
    %max3A_620 = vector.broadcast %jit3A_618 : f32 to vector<256x1xf32>
    %max3A_621 = arith.maximumf %max3A_620, %add3A_599 : vector<256x1xf32>
    %min3A_622 = vector.broadcast %jit3A_619 : f32 to vector<256x1xf32>
    %min3A_623 = arith.minimumf %min3A_622, %max3A_621 : vector<256x1xf32>
    %sub3A_624 = arith.subf %min3A_617, %min3A_605 : vector<256x1xf32>
    %sub3A_625 = arith.subf %min3A_623, %min3A_611 : vector<256x1xf32>
    %mul3A_626 = arith.mulf %sub3A_624, %sub3A_625 : vector<256x1xf32>
    %min3A_627 = vector.broadcast %min3A_617 : vector<256x1xf32> to vector<256x2048xf32>
    %min3A_628 = vector.broadcast %min3A_54 : vector<1x2048xf32> to vector<256x2048xf32>
    %min3A_629 = arith.minimumf %min3A_627, %min3A_628 : vector<256x2048xf32>
    %max3A_630 = vector.broadcast %min3A_605 : vector<256x1xf32> to vector<256x2048xf32>
    %max3A_631 = vector.broadcast %min3A_42 : vector<1x2048xf32> to vector<256x2048xf32>
    %max3A_632 = arith.maximumf %max3A_630, %max3A_631 : vector<256x2048xf32>
    %sub3A_633 = arith.subf %min3A_629, %max3A_632 : vector<256x2048xf32>
    %max3A_634 = arith.constant 0.000000e+00 : f32
    %max3A_635 = vector.broadcast %max3A_634 : f32 to vector<256x2048xf32>
    %max3A_636 = arith.maximumf %sub3A_633, %max3A_635 : vector<256x2048xf32>
    %min3A_637 = vector.broadcast %min3A_623 : vector<256x1xf32> to vector<256x2048xf32>
    %min3A_638 = vector.broadcast %min3A_60 : vector<1x2048xf32> to vector<256x2048xf32>
    %min3A_639 = arith.minimumf %min3A_637, %min3A_638 : vector<256x2048xf32>
    %max3A_640 = vector.broadcast %min3A_611 : vector<256x1xf32> to vector<256x2048xf32>
    %max3A_641 = vector.broadcast %min3A_48 : vector<1x2048xf32> to vector<256x2048xf32>
    %max3A_642 = arith.maximumf %max3A_640, %max3A_641 : vector<256x2048xf32>
    %sub3A_643 = arith.subf %min3A_639, %max3A_642 : vector<256x2048xf32>
    %max3A_644 = arith.constant 0.000000e+00 : f32
    %max3A_645 = vector.broadcast %max3A_644 : f32 to vector<256x2048xf32>
    %max3A_646 = arith.maximumf %sub3A_643, %max3A_645 : vector<256x2048xf32>
    %mul3A_647 = arith.mulf %max3A_636, %max3A_646 : vector<256x2048xf32>
    %mul3A_648 = arith.constant 1.700000e+00 : f32
    %mul3A_649 = vector.broadcast %mul3A_648 : f32 to vector<256x2048xf32>
    %mul3A_650 = arith.mulf %mul3A_647, %mul3A_649 : vector<256x2048xf32>
    %add3A_651 = vector.broadcast %mul3A_626 : vector<256x1xf32> to vector<256x2048xf32>
    %add3A_652 = vector.broadcast %mul3A_63 : vector<1x2048xf32> to vector<256x2048xf32>
    %add3A_653 = arith.addf %add3A_651, %add3A_652 : vector<256x2048xf32>
    %add3A_654 = arith.constant 9.99999971E-10 : f32
    %add3A_655 = vector.broadcast %add3A_654 : f32 to vector<256x2048xf32>
    %add3A_656 = arith.addf %add3A_653, %add3A_655 : vector<256x2048xf32>
    %mul3A_657 = arith.constant 0.699999988 : f32
    %mul3A_658 = vector.broadcast %mul3A_657 : f32 to vector<256x2048xf32>
    %mul3A_659 = arith.mulf %mul3A_658, %add3A_656 : vector<256x2048xf32>
    %gt3A_660 = arith.cmpf ogt, %mul3A_650, %mul3A_659 : vector<256x2048xf32>
    %iota3A_661 = tpu.iota {dimensions = array<i32: 0>} : vector<256x1xi32>
    %add3A_662 = arith.constant 1024 : i32
    %add3A_663 = vector.broadcast %add3A_662 : i32 to vector<256x1xi32>
    %add3A_664 = arith.addi %iota3A_661, %add3A_663 : vector<256x1xi32>
    %gt3A_665 = vector.broadcast %iota3A : vector<1x2048xi32> to vector<256x2048xi32>
    %gt3A_666 = vector.broadcast %add3A_664 : vector<256x1xi32> to vector<256x2048xi32>
    %gt3A_667 = arith.cmpi sgt, %gt3A_665, %gt3A_666 : vector<256x2048xi32>
    %and3A_668 = arith.andi %gt3A_660, %gt3A_667 : vector<256x2048xi1>
    %jit3A_669 = arith.constant 1.000000e+00 : f32
    %jit3A_670 = arith.constant 0.000000e+00 : f32
    %broadcast_in_dim3A_671 = vector.broadcast %jit3A_669 : f32 to vector<256x2048xf32>
    %broadcast_in_dim3A_672 = vector.broadcast %jit3A_670 : f32 to vector<256x2048xf32>
    %select_n3A_673 = arith.select %and3A_668, %broadcast_in_dim3A_671, %broadcast_in_dim3A_672 : vector<256x2048xi1>, vector<256x2048xf32>
    %reshape3A_674 = vector.shape_cast %select_n3A_673 : vector<256x2048xf32> to vector<2048x256xf32>
    %swap3A_675 = arith.constant 8192 : index
    %swap3A_676 = arith.constant 0 : index
    %swap3A_677 = vector.load %arg8[%swap3A_675, %swap3A_676] : memref<16384x256xf32, #tpu.memory_space<vmem>>, vector<2048x256xf32>
    tpu.vector_store %arg8[%swap3A_675, %swap3A_676], %reshape3A_674 {strides = array<i32>} : memref<16384x256xf32, #tpu.memory_space<vmem>>, vector<2048x256xf32>,
    %get3A_678 = arith.constant 0 : index
    %get3A_679 = arith.constant 0 : index
    %get3A_680 = arith.constant 0 : index
    %get3A_681 = vector.load %arg3[%get3A_678, %get3A_679, %get3A_680] : memref<1x2048x4xf32, #tpu.memory_space<vmem>>, vector<1x2048x4xf32>
    %get3A_682 = vector.shape_cast %get3A_681 : vector<1x2048x4xf32> to vector<2048x4xf32>
    %get3A_683 = arith.constant 0 : index
    %get3A_684 = arith.constant 0 : index
    %get3A_685 = arith.constant 0 : index
    %get3A_686 = vector.load %arg4[%get3A_683, %get3A_684, %get3A_685] : memref<1x2048x4xf32, #tpu.memory_space<vmem>>, vector<1x2048x4xf32>
    %get3A_687 = vector.shape_cast %get3A_686 : vector<1x2048x4xf32> to vector<2048x4xf32>
    %slice3A_688 = vector.extract_strided_slice %get3A_682 {offsets = [1280, 0], sizes = [256, 1], strides = [1, 1]} : vector<2048x4xf32> to vector<256x1xf32>
    %slice3A_689 = vector.extract_strided_slice %get3A_682 {offsets = [1280, 1], sizes = [256, 1], strides = [1, 1]} : vector<2048x4xf32> to vector<256x1xf32>
    %slice3A_690 = vector.extract_strided_slice %get3A_682 {offsets = [1280, 2], sizes = [256, 1], strides = [1, 1]} : vector<2048x4xf32> to vector<256x1xf32>
    %slice3A_691 = vector.extract_strided_slice %get3A_682 {offsets = [1280, 3], sizes = [256, 1], strides = [1, 1]} : vector<2048x4xf32> to vector<256x1xf32>
    %slice3A_692 = vector.extract_strided_slice %get3A_687 {offsets = [1280, 0], sizes = [256, 1], strides = [1, 1]} : vector<2048x4xf32> to vector<256x1xf32>
    %slice3A_693 = vector.extract_strided_slice %get3A_687 {offsets = [1280, 1], sizes = [256, 1], strides = [1, 1]} : vector<2048x4xf32> to vector<256x1xf32>
    %slice3A_694 = vector.extract_strided_slice %get3A_687 {offsets = [1280, 2], sizes = [256, 1], strides = [1, 1]} : vector<2048x4xf32> to vector<256x1xf32>
    %slice3A_695 = vector.extract_strided_slice %get3A_687 {offsets = [1280, 3], sizes = [256, 1], strides = [1, 1]} : vector<2048x4xf32> to vector<256x1xf32>
    %sub3A_696 = arith.subf %slice3A_690, %slice3A_688 : vector<256x1xf32>
    %sub3A_697 = arith.subf %slice3A_691, %slice3A_689 : vector<256x1xf32>
    %mul3A_698 = arith.constant 5.000000e-01 : f32
    %mul3A_699 = vector.broadcast %mul3A_698 : f32 to vector<256x1xf32>
    %mul3A_700 = arith.mulf %mul3A_699, %sub3A_696 : vector<256x1xf32>
    %add3A_701 = arith.addf %slice3A_688, %mul3A_700 : vector<256x1xf32>
    %mul3A_702 = arith.constant 5.000000e-01 : f32
    %mul3A_703 = vector.broadcast %mul3A_702 : f32 to vector<256x1xf32>
    %mul3A_704 = arith.mulf %mul3A_703, %sub3A_697 : vector<256x1xf32>
    %add3A_705 = arith.addf %slice3A_689, %mul3A_704 : vector<256x1xf32>
    %mul3A_706 = arith.mulf %slice3A_692, %sub3A_696 : vector<256x1xf32>
    %add3A_707 = arith.addf %add3A_701, %mul3A_706 : vector<256x1xf32>
    %mul3A_708 = arith.mulf %slice3A_693, %sub3A_697 : vector<256x1xf32>
    %add3A_709 = arith.addf %add3A_705, %mul3A_708 : vector<256x1xf32>
    %exp3A_710 = math.exp %slice3A_694 : vector<256x1xf32>
    %mul3A_711 = arith.mulf %exp3A_710, %sub3A_696 : vector<256x1xf32>
    %exp3A_712 = math.exp %slice3A_695 : vector<256x1xf32>
    %mul3A_713 = arith.mulf %exp3A_712, %sub3A_697 : vector<256x1xf32>
    %mul3A_714 = arith.constant 5.000000e-01 : f32
    %mul3A_715 = vector.broadcast %mul3A_714 : f32 to vector<256x1xf32>
    %mul3A_716 = arith.mulf %mul3A_715, %mul3A_711 : vector<256x1xf32>
    %sub3A_717 = arith.subf %add3A_707, %mul3A_716 : vector<256x1xf32>
    %mul3A_718 = arith.constant 5.000000e-01 : f32
    %mul3A_719 = vector.broadcast %mul3A_718 : f32 to vector<256x1xf32>
    %mul3A_720 = arith.mulf %mul3A_719, %mul3A_713 : vector<256x1xf32>
    %sub3A_721 = arith.subf %add3A_709, %mul3A_720 : vector<256x1xf32>
    %add3A_722 = arith.addf %sub3A_717, %mul3A_711 : vector<256x1xf32>
    %add3A_723 = arith.addf %sub3A_721, %mul3A_713 : vector<256x1xf32>
    %jit3A_724 = arith.constant 0.000000e+00 : f32
    %jit3A_725 = arith.constant 1.024000e+03 : f32
    %max3A_726 = vector.broadcast %jit3A_724 : f32 to vector<256x1xf32>
    %max3A_727 = arith.maximumf %max3A_726, %sub3A_717 : vector<256x1xf32>
    %min3A_728 = vector.broadcast %jit3A_725 : f32 to vector<256x1xf32>
    %min3A_729 = arith.minimumf %min3A_728, %max3A_727 : vector<256x1xf32>
    %jit3A_730 = arith.constant 0.000000e+00 : f32
    %jit3A_731 = arith.constant 1.024000e+03 : f32
    %max3A_732 = vector.broadcast %jit3A_730 : f32 to vector<256x1xf32>
    %max3A_733 = arith.maximumf %max3A_732, %sub3A_721 : vector<256x1xf32>
    %min3A_734 = vector.broadcast %jit3A_731 : f32 to vector<256x1xf32>
    %min3A_735 = arith.minimumf %min3A_734, %max3A_733 : vector<256x1xf32>
    %jit3A_736 = arith.constant 0.000000e+00 : f32
    %jit3A_737 = arith.constant 1.024000e+03 : f32
    %max3A_738 = vector.broadcast %jit3A_736 : f32 to vector<256x1xf32>
    %max3A_739 = arith.maximumf %max3A_738, %add3A_722 : vector<256x1xf32>
    %min3A_740 = vector.broadcast %jit3A_737 : f32 to vector<256x1xf32>
    %min3A_741 = arith.minimumf %min3A_740, %max3A_739 : vector<256x1xf32>
    %jit3A_742 = arith.constant 0.000000e+00 : f32
    %jit3A_743 = arith.constant 1.024000e+03 : f32
    %max3A_744 = vector.broadcast %jit3A_742 : f32 to vector<256x1xf32>
    %max3A_745 = arith.maximumf %max3A_744, %add3A_723 : vector<256x1xf32>
    %min3A_746 = vector.broadcast %jit3A_743 : f32 to vector<256x1xf32>
    %min3A_747 = arith.minimumf %min3A_746, %max3A_745 : vector<256x1xf32>
    %sub3A_748 = arith.subf %min3A_741, %min3A_729 : vector<256x1xf32>
    %sub3A_749 = arith.subf %min3A_747, %min3A_735 : vector<256x1xf32>
    %mul3A_750 = arith.mulf %sub3A_748, %sub3A_749 : vector<256x1xf32>
    %min3A_751 = vector.broadcast %min3A_741 : vector<256x1xf32> to vector<256x2048xf32>
    %min3A_752 = vector.broadcast %min3A_54 : vector<1x2048xf32> to vector<256x2048xf32>
    %min3A_753 = arith.minimumf %min3A_751, %min3A_752 : vector<256x2048xf32>
    %max3A_754 = vector.broadcast %min3A_729 : vector<256x1xf32> to vector<256x2048xf32>
    %max3A_755 = vector.broadcast %min3A_42 : vector<1x2048xf32> to vector<256x2048xf32>
    %max3A_756 = arith.maximumf %max3A_754, %max3A_755 : vector<256x2048xf32>
    %sub3A_757 = arith.subf %min3A_753, %max3A_756 : vector<256x2048xf32>
    %max3A_758 = arith.constant 0.000000e+00 : f32
    %max3A_759 = vector.broadcast %max3A_758 : f32 to vector<256x2048xf32>
    %max3A_760 = arith.maximumf %sub3A_757, %max3A_759 : vector<256x2048xf32>
    %min3A_761 = vector.broadcast %min3A_747 : vector<256x1xf32> to vector<256x2048xf32>
    %min3A_762 = vector.broadcast %min3A_60 : vector<1x2048xf32> to vector<256x2048xf32>
    %min3A_763 = arith.minimumf %min3A_761, %min3A_762 : vector<256x2048xf32>
    %max3A_764 = vector.broadcast %min3A_735 : vector<256x1xf32> to vector<256x2048xf32>
    %max3A_765 = vector.broadcast %min3A_48 : vector<1x2048xf32> to vector<256x2048xf32>
    %max3A_766 = arith.maximumf %max3A_764, %max3A_765 : vector<256x2048xf32>
    %sub3A_767 = arith.subf %min3A_763, %max3A_766 : vector<256x2048xf32>
    %max3A_768 = arith.constant 0.000000e+00 : f32
    %max3A_769 = vector.broadcast %max3A_768 : f32 to vector<256x2048xf32>
    %max3A_770 = arith.maximumf %sub3A_767, %max3A_769 : vector<256x2048xf32>
    %mul3A_771 = arith.mulf %max3A_760, %max3A_770 : vector<256x2048xf32>
    %mul3A_772 = arith.constant 1.700000e+00 : f32
    %mul3A_773 = vector.broadcast %mul3A_772 : f32 to vector<256x2048xf32>
    %mul3A_774 = arith.mulf %mul3A_771, %mul3A_773 : vector<256x2048xf32>
    %add3A_775 = vector.broadcast %mul3A_750 : vector<256x1xf32> to vector<256x2048xf32>
    %add3A_776 = vector.broadcast %mul3A_63 : vector<1x2048xf32> to vector<256x2048xf32>
    %add3A_777 = arith.addf %add3A_775, %add3A_776 : vector<256x2048xf32>
    %add3A_778 = arith.constant 9.99999971E-10 : f32
    %add3A_779 = vector.broadcast %add3A_778 : f32 to vector<256x2048xf32>
    %add3A_780 = arith.addf %add3A_777, %add3A_779 : vector<256x2048xf32>
    %mul3A_781 = arith.constant 0.699999988 : f32
    %mul3A_782 = vector.broadcast %mul3A_781 : f32 to vector<256x2048xf32>
    %mul3A_783 = arith.mulf %mul3A_782, %add3A_780 : vector<256x2048xf32>
    %gt3A_784 = arith.cmpf ogt, %mul3A_774, %mul3A_783 : vector<256x2048xf32>
    %iota3A_785 = tpu.iota {dimensions = array<i32: 0>} : vector<256x1xi32>
    %add3A_786 = arith.constant 1280 : i32
    %add3A_787 = vector.broadcast %add3A_786 : i32 to vector<256x1xi32>
    %add3A_788 = arith.addi %iota3A_785, %add3A_787 : vector<256x1xi32>
    %gt3A_789 = vector.broadcast %iota3A : vector<1x2048xi32> to vector<256x2048xi32>
    %gt3A_790 = vector.broadcast %add3A_788 : vector<256x1xi32> to vector<256x2048xi32>
    %gt3A_791 = arith.cmpi sgt, %gt3A_789, %gt3A_790 : vector<256x2048xi32>
    %and3A_792 = arith.andi %gt3A_784, %gt3A_791 : vector<256x2048xi1>
    %jit3A_793 = arith.constant 1.000000e+00 : f32
    %jit3A_794 = arith.constant 0.000000e+00 : f32
    %broadcast_in_dim3A_795 = vector.broadcast %jit3A_793 : f32 to vector<256x2048xf32>
    %broadcast_in_dim3A_796 = vector.broadcast %jit3A_794 : f32 to vector<256x2048xf32>
    %select_n3A_797 = arith.select %and3A_792, %broadcast_in_dim3A_795, %broadcast_in_dim3A_796 : vector<256x2048xi1>, vector<256x2048xf32>
    %reshape3A_798 = vector.shape_cast %select_n3A_797 : vector<256x2048xf32> to vector<2048x256xf32>
    %swap3A_799 = arith.constant 10240 : index
    %swap3A_800 = arith.constant 0 : index
    %swap3A_801 = vector.load %arg8[%swap3A_799, %swap3A_800] : memref<16384x256xf32, #tpu.memory_space<vmem>>, vector<2048x256xf32>
    tpu.vector_store %arg8[%swap3A_799, %swap3A_800], %reshape3A_798 {strides = array<i32>} : memref<16384x256xf32, #tpu.memory_space<vmem>>, vector<2048x256xf32>,
    %get3A_802 = arith.constant 0 : index
    %get3A_803 = arith.constant 0 : index
    %get3A_804 = arith.constant 0 : index
    %get3A_805 = vector.load %arg3[%get3A_802, %get3A_803, %get3A_804] : memref<1x2048x4xf32, #tpu.memory_space<vmem>>, vector<1x2048x4xf32>
    %get3A_806 = vector.shape_cast %get3A_805 : vector<1x2048x4xf32> to vector<2048x4xf32>
    %get3A_807 = arith.constant 0 : index
    %get3A_808 = arith.constant 0 : index
    %get3A_809 = arith.constant 0 : index
    %get3A_810 = vector.load %arg4[%get3A_807, %get3A_808, %get3A_809] : memref<1x2048x4xf32, #tpu.memory_space<vmem>>, vector<1x2048x4xf32>
    %get3A_811 = vector.shape_cast %get3A_810 : vector<1x2048x4xf32> to vector<2048x4xf32>
    %slice3A_812 = vector.extract_strided_slice %get3A_806 {offsets = [1536, 0], sizes = [256, 1], strides = [1, 1]} : vector<2048x4xf32> to vector<256x1xf32>
    %slice3A_813 = vector.extract_strided_slice %get3A_806 {offsets = [1536, 1], sizes = [256, 1], strides = [1, 1]} : vector<2048x4xf32> to vector<256x1xf32>
    %slice3A_814 = vector.extract_strided_slice %get3A_806 {offsets = [1536, 2], sizes = [256, 1], strides = [1, 1]} : vector<2048x4xf32> to vector<256x1xf32>
    %slice3A_815 = vector.extract_strided_slice %get3A_806 {offsets = [1536, 3], sizes = [256, 1], strides = [1, 1]} : vector<2048x4xf32> to vector<256x1xf32>
    %slice3A_816 = vector.extract_strided_slice %get3A_811 {offsets = [1536, 0], sizes = [256, 1], strides = [1, 1]} : vector<2048x4xf32> to vector<256x1xf32>
    %slice3A_817 = vector.extract_strided_slice %get3A_811 {offsets = [1536, 1], sizes = [256, 1], strides = [1, 1]} : vector<2048x4xf32> to vector<256x1xf32>
    %slice3A_818 = vector.extract_strided_slice %get3A_811 {offsets = [1536, 2], sizes = [256, 1], strides = [1, 1]} : vector<2048x4xf32> to vector<256x1xf32>
    %slice3A_819 = vector.extract_strided_slice %get3A_811 {offsets = [1536, 3], sizes = [256, 1], strides = [1, 1]} : vector<2048x4xf32> to vector<256x1xf32>
    %sub3A_820 = arith.subf %slice3A_814, %slice3A_812 : vector<256x1xf32>
    %sub3A_821 = arith.subf %slice3A_815, %slice3A_813 : vector<256x1xf32>
    %mul3A_822 = arith.constant 5.000000e-01 : f32
    %mul3A_823 = vector.broadcast %mul3A_822 : f32 to vector<256x1xf32>
    %mul3A_824 = arith.mulf %mul3A_823, %sub3A_820 : vector<256x1xf32>
    %add3A_825 = arith.addf %slice3A_812, %mul3A_824 : vector<256x1xf32>
    %mul3A_826 = arith.constant 5.000000e-01 : f32
    %mul3A_827 = vector.broadcast %mul3A_826 : f32 to vector<256x1xf32>
    %mul3A_828 = arith.mulf %mul3A_827, %sub3A_821 : vector<256x1xf32>
    %add3A_829 = arith.addf %slice3A_813, %mul3A_828 : vector<256x1xf32>
    %mul3A_830 = arith.mulf %slice3A_816, %sub3A_820 : vector<256x1xf32>
    %add3A_831 = arith.addf %add3A_825, %mul3A_830 : vector<256x1xf32>
    %mul3A_832 = arith.mulf %slice3A_817, %sub3A_821 : vector<256x1xf32>
    %add3A_833 = arith.addf %add3A_829, %mul3A_832 : vector<256x1xf32>
    %exp3A_834 = math.exp %slice3A_818 : vector<256x1xf32>
    %mul3A_835 = arith.mulf %exp3A_834, %sub3A_820 : vector<256x1xf32>
    %exp3A_836 = math.exp %slice3A_819 : vector<256x1xf32>
    %mul3A_837 = arith.mulf %exp3A_836, %sub3A_821 : vector<256x1xf32>
    %mul3A_838 = arith.constant 5.000000e-01 : f32
    %mul3A_839 = vector.broadcast %mul3A_838 : f32 to vector<256x1xf32>
    %mul3A_840 = arith.mulf %mul3A_839, %mul3A_835 : vector<256x1xf32>
    %sub3A_841 = arith.subf %add3A_831, %mul3A_840 : vector<256x1xf32>
    %mul3A_842 = arith.constant 5.000000e-01 : f32
    %mul3A_843 = vector.broadcast %mul3A_842 : f32 to vector<256x1xf32>
    %mul3A_844 = arith.mulf %mul3A_843, %mul3A_837 : vector<256x1xf32>
    %sub3A_845 = arith.subf %add3A_833, %mul3A_844 : vector<256x1xf32>
    %add3A_846 = arith.addf %sub3A_841, %mul3A_835 : vector<256x1xf32>
    %add3A_847 = arith.addf %sub3A_845, %mul3A_837 : vector<256x1xf32>
    %jit3A_848 = arith.constant 0.000000e+00 : f32
    %jit3A_849 = arith.constant 1.024000e+03 : f32
    %max3A_850 = vector.broadcast %jit3A_848 : f32 to vector<256x1xf32>
    %max3A_851 = arith.maximumf %max3A_850, %sub3A_841 : vector<256x1xf32>
    %min3A_852 = vector.broadcast %jit3A_849 : f32 to vector<256x1xf32>
    %min3A_853 = arith.minimumf %min3A_852, %max3A_851 : vector<256x1xf32>
    %jit3A_854 = arith.constant 0.000000e+00 : f32
    %jit3A_855 = arith.constant 1.024000e+03 : f32
    %max3A_856 = vector.broadcast %jit3A_854 : f32 to vector<256x1xf32>
    %max3A_857 = arith.maximumf %max3A_856, %sub3A_845 : vector<256x1xf32>
    %min3A_858 = vector.broadcast %jit3A_855 : f32 to vector<256x1xf32>
    %min3A_859 = arith.minimumf %min3A_858, %max3A_857 : vector<256x1xf32>
    %jit3A_860 = arith.constant 0.000000e+00 : f32
    %jit3A_861 = arith.constant 1.024000e+03 : f32
    %max3A_862 = vector.broadcast %jit3A_860 : f32 to vector<256x1xf32>
    %max3A_863 = arith.maximumf %max3A_862, %add3A_846 : vector<256x1xf32>
    %min3A_864 = vector.broadcast %jit3A_861 : f32 to vector<256x1xf32>
    %min3A_865 = arith.minimumf %min3A_864, %max3A_863 : vector<256x1xf32>
    %jit3A_866 = arith.constant 0.000000e+00 : f32
    %jit3A_867 = arith.constant 1.024000e+03 : f32
    %max3A_868 = vector.broadcast %jit3A_866 : f32 to vector<256x1xf32>
    %max3A_869 = arith.maximumf %max3A_868, %add3A_847 : vector<256x1xf32>
    %min3A_870 = vector.broadcast %jit3A_867 : f32 to vector<256x1xf32>
    %min3A_871 = arith.minimumf %min3A_870, %max3A_869 : vector<256x1xf32>
    %sub3A_872 = arith.subf %min3A_865, %min3A_853 : vector<256x1xf32>
    %sub3A_873 = arith.subf %min3A_871, %min3A_859 : vector<256x1xf32>
    %mul3A_874 = arith.mulf %sub3A_872, %sub3A_873 : vector<256x1xf32>
    %min3A_875 = vector.broadcast %min3A_865 : vector<256x1xf32> to vector<256x2048xf32>
    %min3A_876 = vector.broadcast %min3A_54 : vector<1x2048xf32> to vector<256x2048xf32>
    %min3A_877 = arith.minimumf %min3A_875, %min3A_876 : vector<256x2048xf32>
    %max3A_878 = vector.broadcast %min3A_853 : vector<256x1xf32> to vector<256x2048xf32>
    %max3A_879 = vector.broadcast %min3A_42 : vector<1x2048xf32> to vector<256x2048xf32>
    %max3A_880 = arith.maximumf %max3A_878, %max3A_879 : vector<256x2048xf32>
    %sub3A_881 = arith.subf %min3A_877, %max3A_880 : vector<256x2048xf32>
    %max3A_882 = arith.constant 0.000000e+00 : f32
    %max3A_883 = vector.broadcast %max3A_882 : f32 to vector<256x2048xf32>
    %max3A_884 = arith.maximumf %sub3A_881, %max3A_883 : vector<256x2048xf32>
    %min3A_885 = vector.broadcast %min3A_871 : vector<256x1xf32> to vector<256x2048xf32>
    %min3A_886 = vector.broadcast %min3A_60 : vector<1x2048xf32> to vector<256x2048xf32>
    %min3A_887 = arith.minimumf %min3A_885, %min3A_886 : vector<256x2048xf32>
    %max3A_888 = vector.broadcast %min3A_859 : vector<256x1xf32> to vector<256x2048xf32>
    %max3A_889 = vector.broadcast %min3A_48 : vector<1x2048xf32> to vector<256x2048xf32>
    %max3A_890 = arith.maximumf %max3A_888, %max3A_889 : vector<256x2048xf32>
    %sub3A_891 = arith.subf %min3A_887, %max3A_890 : vector<256x2048xf32>
    %max3A_892 = arith.constant 0.000000e+00 : f32
    %max3A_893 = vector.broadcast %max3A_892 : f32 to vector<256x2048xf32>
    %max3A_894 = arith.maximumf %sub3A_891, %max3A_893 : vector<256x2048xf32>
    %mul3A_895 = arith.mulf %max3A_884, %max3A_894 : vector<256x2048xf32>
    %mul3A_896 = arith.constant 1.700000e+00 : f32
    %mul3A_897 = vector.broadcast %mul3A_896 : f32 to vector<256x2048xf32>
    %mul3A_898 = arith.mulf %mul3A_895, %mul3A_897 : vector<256x2048xf32>
    %add3A_899 = vector.broadcast %mul3A_874 : vector<256x1xf32> to vector<256x2048xf32>
    %add3A_900 = vector.broadcast %mul3A_63 : vector<1x2048xf32> to vector<256x2048xf32>
    %add3A_901 = arith.addf %add3A_899, %add3A_900 : vector<256x2048xf32>
    %add3A_902 = arith.constant 9.99999971E-10 : f32
    %add3A_903 = vector.broadcast %add3A_902 : f32 to vector<256x2048xf32>
    %add3A_904 = arith.addf %add3A_901, %add3A_903 : vector<256x2048xf32>
    %mul3A_905 = arith.constant 0.699999988 : f32
    %mul3A_906 = vector.broadcast %mul3A_905 : f32 to vector<256x2048xf32>
    %mul3A_907 = arith.mulf %mul3A_906, %add3A_904 : vector<256x2048xf32>
    %gt3A_908 = arith.cmpf ogt, %mul3A_898, %mul3A_907 : vector<256x2048xf32>
    %iota3A_909 = tpu.iota {dimensions = array<i32: 0>} : vector<256x1xi32>
    %add3A_910 = arith.constant 1536 : i32
    %add3A_911 = vector.broadcast %add3A_910 : i32 to vector<256x1xi32>
    %add3A_912 = arith.addi %iota3A_909, %add3A_911 : vector<256x1xi32>
    %gt3A_913 = vector.broadcast %iota3A : vector<1x2048xi32> to vector<256x2048xi32>
    %gt3A_914 = vector.broadcast %add3A_912 : vector<256x1xi32> to vector<256x2048xi32>
    %gt3A_915 = arith.cmpi sgt, %gt3A_913, %gt3A_914 : vector<256x2048xi32>
    %and3A_916 = arith.andi %gt3A_908, %gt3A_915 : vector<256x2048xi1>
    %jit3A_917 = arith.constant 1.000000e+00 : f32
    %jit3A_918 = arith.constant 0.000000e+00 : f32
    %broadcast_in_dim3A_919 = vector.broadcast %jit3A_917 : f32 to vector<256x2048xf32>
    %broadcast_in_dim3A_920 = vector.broadcast %jit3A_918 : f32 to vector<256x2048xf32>
    %select_n3A_921 = arith.select %and3A_916, %broadcast_in_dim3A_919, %broadcast_in_dim3A_920 : vector<256x2048xi1>, vector<256x2048xf32>
    %reshape3A_922 = vector.shape_cast %select_n3A_921 : vector<256x2048xf32> to vector<2048x256xf32>
    %swap3A_923 = arith.constant 12288 : index
    %swap3A_924 = arith.constant 0 : index
    %swap3A_925 = vector.load %arg8[%swap3A_923, %swap3A_924] : memref<16384x256xf32, #tpu.memory_space<vmem>>, vector<2048x256xf32>
    tpu.vector_store %arg8[%swap3A_923, %swap3A_924], %reshape3A_922 {strides = array<i32>} : memref<16384x256xf32, #tpu.memory_space<vmem>>, vector<2048x256xf32>,
    %get3A_926 = arith.constant 0 : index
    %get3A_927 = arith.constant 0 : index
    %get3A_928 = arith.constant 0 : index
    %get3A_929 = vector.load %arg3[%get3A_926, %get3A_927, %get3A_928] : memref<1x2048x4xf32, #tpu.memory_space<vmem>>, vector<1x2048x4xf32>
    %get3A_930 = vector.shape_cast %get3A_929 : vector<1x2048x4xf32> to vector<2048x4xf32>
    %get3A_931 = arith.constant 0 : index
    %get3A_932 = arith.constant 0 : index
    %get3A_933 = arith.constant 0 : index
    %get3A_934 = vector.load %arg4[%get3A_931, %get3A_932, %get3A_933] : memref<1x2048x4xf32, #tpu.memory_space<vmem>>, vector<1x2048x4xf32>
    %get3A_935 = vector.shape_cast %get3A_934 : vector<1x2048x4xf32> to vector<2048x4xf32>
    %slice3A_936 = vector.extract_strided_slice %get3A_930 {offsets = [1792, 0], sizes = [256, 1], strides = [1, 1]} : vector<2048x4xf32> to vector<256x1xf32>
    %slice3A_937 = vector.extract_strided_slice %get3A_930 {offsets = [1792, 1], sizes = [256, 1], strides = [1, 1]} : vector<2048x4xf32> to vector<256x1xf32>
    %slice3A_938 = vector.extract_strided_slice %get3A_930 {offsets = [1792, 2], sizes = [256, 1], strides = [1, 1]} : vector<2048x4xf32> to vector<256x1xf32>
    %slice3A_939 = vector.extract_strided_slice %get3A_930 {offsets = [1792, 3], sizes = [256, 1], strides = [1, 1]} : vector<2048x4xf32> to vector<256x1xf32>
    %slice3A_940 = vector.extract_strided_slice %get3A_935 {offsets = [1792, 0], sizes = [256, 1], strides = [1, 1]} : vector<2048x4xf32> to vector<256x1xf32>
    %slice3A_941 = vector.extract_strided_slice %get3A_935 {offsets = [1792, 1], sizes = [256, 1], strides = [1, 1]} : vector<2048x4xf32> to vector<256x1xf32>
    %slice3A_942 = vector.extract_strided_slice %get3A_935 {offsets = [1792, 2], sizes = [256, 1], strides = [1, 1]} : vector<2048x4xf32> to vector<256x1xf32>
    %slice3A_943 = vector.extract_strided_slice %get3A_935 {offsets = [1792, 3], sizes = [256, 1], strides = [1, 1]} : vector<2048x4xf32> to vector<256x1xf32>
    %sub3A_944 = arith.subf %slice3A_938, %slice3A_936 : vector<256x1xf32>
    %sub3A_945 = arith.subf %slice3A_939, %slice3A_937 : vector<256x1xf32>
    %mul3A_946 = arith.constant 5.000000e-01 : f32
    %mul3A_947 = vector.broadcast %mul3A_946 : f32 to vector<256x1xf32>
    %mul3A_948 = arith.mulf %mul3A_947, %sub3A_944 : vector<256x1xf32>
    %add3A_949 = arith.addf %slice3A_936, %mul3A_948 : vector<256x1xf32>
    %mul3A_950 = arith.constant 5.000000e-01 : f32
    %mul3A_951 = vector.broadcast %mul3A_950 : f32 to vector<256x1xf32>
    %mul3A_952 = arith.mulf %mul3A_951, %sub3A_945 : vector<256x1xf32>
    %add3A_953 = arith.addf %slice3A_937, %mul3A_952 : vector<256x1xf32>
    %mul3A_954 = arith.mulf %slice3A_940, %sub3A_944 : vector<256x1xf32>
    %add3A_955 = arith.addf %add3A_949, %mul3A_954 : vector<256x1xf32>
    %mul3A_956 = arith.mulf %slice3A_941, %sub3A_945 : vector<256x1xf32>
    %add3A_957 = arith.addf %add3A_953, %mul3A_956 : vector<256x1xf32>
    %exp3A_958 = math.exp %slice3A_942 : vector<256x1xf32>
    %mul3A_959 = arith.mulf %exp3A_958, %sub3A_944 : vector<256x1xf32>
    %exp3A_960 = math.exp %slice3A_943 : vector<256x1xf32>
    %mul3A_961 = arith.mulf %exp3A_960, %sub3A_945 : vector<256x1xf32>
    %mul3A_962 = arith.constant 5.000000e-01 : f32
    %mul3A_963 = vector.broadcast %mul3A_962 : f32 to vector<256x1xf32>
    %mul3A_964 = arith.mulf %mul3A_963, %mul3A_959 : vector<256x1xf32>
    %sub3A_965 = arith.subf %add3A_955, %mul3A_964 : vector<256x1xf32>
    %mul3A_966 = arith.constant 5.000000e-01 : f32
    %mul3A_967 = vector.broadcast %mul3A_966 : f32 to vector<256x1xf32>
    %mul3A_968 = arith.mulf %mul3A_967, %mul3A_961 : vector<256x1xf32>
    %sub3A_969 = arith.subf %add3A_957, %mul3A_968 : vector<256x1xf32>
    %add3A_970 = arith.addf %sub3A_965, %mul3A_959 : vector<256x1xf32>
    %add3A_971 = arith.addf %sub3A_969, %mul3A_961 : vector<256x1xf32>
    %jit3A_972 = arith.constant 0.000000e+00 : f32
    %jit3A_973 = arith.constant 1.024000e+03 : f32
    %max3A_974 = vector.broadcast %jit3A_972 : f32 to vector<256x1xf32>
    %max3A_975 = arith.maximumf %max3A_974, %sub3A_965 : vector<256x1xf32>
    %min3A_976 = vector.broadcast %jit3A_973 : f32 to vector<256x1xf32>
    %min3A_977 = arith.minimumf %min3A_976, %max3A_975 : vector<256x1xf32>
    %jit3A_978 = arith.constant 0.000000e+00 : f32
    %jit3A_979 = arith.constant 1.024000e+03 : f32
    %max3A_980 = vector.broadcast %jit3A_978 : f32 to vector<256x1xf32>
    %max3A_981 = arith.maximumf %max3A_980, %sub3A_969 : vector<256x1xf32>
    %min3A_982 = vector.broadcast %jit3A_979 : f32 to vector<256x1xf32>
    %min3A_983 = arith.minimumf %min3A_982, %max3A_981 : vector<256x1xf32>
    %jit3A_984 = arith.constant 0.000000e+00 : f32
    %jit3A_985 = arith.constant 1.024000e+03 : f32
    %max3A_986 = vector.broadcast %jit3A_984 : f32 to vector<256x1xf32>
    %max3A_987 = arith.maximumf %max3A_986, %add3A_970 : vector<256x1xf32>
    %min3A_988 = vector.broadcast %jit3A_985 : f32 to vector<256x1xf32>
    %min3A_989 = arith.minimumf %min3A_988, %max3A_987 : vector<256x1xf32>
    %jit3A_990 = arith.constant 0.000000e+00 : f32
    %jit3A_991 = arith.constant 1.024000e+03 : f32
    %max3A_992 = vector.broadcast %jit3A_990 : f32 to vector<256x1xf32>
    %max3A_993 = arith.maximumf %max3A_992, %add3A_971 : vector<256x1xf32>
    %min3A_994 = vector.broadcast %jit3A_991 : f32 to vector<256x1xf32>
    %min3A_995 = arith.minimumf %min3A_994, %max3A_993 : vector<256x1xf32>
    %sub3A_996 = arith.subf %min3A_989, %min3A_977 : vector<256x1xf32>
    %sub3A_997 = arith.subf %min3A_995, %min3A_983 : vector<256x1xf32>
    %mul3A_998 = arith.mulf %sub3A_996, %sub3A_997 : vector<256x1xf32>
    %min3A_999 = vector.broadcast %min3A_989 : vector<256x1xf32> to vector<256x2048xf32>
    %min3A_1000 = vector.broadcast %min3A_54 : vector<1x2048xf32> to vector<256x2048xf32>
    %min3A_1001 = arith.minimumf %min3A_999, %min3A_1000 : vector<256x2048xf32>
    %max3A_1002 = vector.broadcast %min3A_977 : vector<256x1xf32> to vector<256x2048xf32>
    %max3A_1003 = vector.broadcast %min3A_42 : vector<1x2048xf32> to vector<256x2048xf32>
    %max3A_1004 = arith.maximumf %max3A_1002, %max3A_1003 : vector<256x2048xf32>
    %sub3A_1005 = arith.subf %min3A_1001, %max3A_1004 : vector<256x2048xf32>
    %max3A_1006 = arith.constant 0.000000e+00 : f32
    %max3A_1007 = vector.broadcast %max3A_1006 : f32 to vector<256x2048xf32>
    %max3A_1008 = arith.maximumf %sub3A_1005, %max3A_1007 : vector<256x2048xf32>
    %min3A_1009 = vector.broadcast %min3A_995 : vector<256x1xf32> to vector<256x2048xf32>
    %min3A_1010 = vector.broadcast %min3A_60 : vector<1x2048xf32> to vector<256x2048xf32>
    %min3A_1011 = arith.minimumf %min3A_1009, %min3A_1010 : vector<256x2048xf32>
    %max3A_1012 = vector.broadcast %min3A_983 : vector<256x1xf32> to vector<256x2048xf32>
    %max3A_1013 = vector.broadcast %min3A_48 : vector<1x2048xf32> to vector<256x2048xf32>
    %max3A_1014 = arith.maximumf %max3A_1012, %max3A_1013 : vector<256x2048xf32>
    %sub3A_1015 = arith.subf %min3A_1011, %max3A_1014 : vector<256x2048xf32>
    %max3A_1016 = arith.constant 0.000000e+00 : f32
    %max3A_1017 = vector.broadcast %max3A_1016 : f32 to vector<256x2048xf32>
    %max3A_1018 = arith.maximumf %sub3A_1015, %max3A_1017 : vector<256x2048xf32>
    %mul3A_1019 = arith.mulf %max3A_1008, %max3A_1018 : vector<256x2048xf32>
    %mul3A_1020 = arith.constant 1.700000e+00 : f32
    %mul3A_1021 = vector.broadcast %mul3A_1020 : f32 to vector<256x2048xf32>
    %mul3A_1022 = arith.mulf %mul3A_1019, %mul3A_1021 : vector<256x2048xf32>
    %add3A_1023 = vector.broadcast %mul3A_998 : vector<256x1xf32> to vector<256x2048xf32>
    %add3A_1024 = vector.broadcast %mul3A_63 : vector<1x2048xf32> to vector<256x2048xf32>
    %add3A_1025 = arith.addf %add3A_1023, %add3A_1024 : vector<256x2048xf32>
    %add3A_1026 = arith.constant 9.99999971E-10 : f32
    %add3A_1027 = vector.broadcast %add3A_1026 : f32 to vector<256x2048xf32>
    %add3A_1028 = arith.addf %add3A_1025, %add3A_1027 : vector<256x2048xf32>
    %mul3A_1029 = arith.constant 0.699999988 : f32
    %mul3A_1030 = vector.broadcast %mul3A_1029 : f32 to vector<256x2048xf32>
    %mul3A_1031 = arith.mulf %mul3A_1030, %add3A_1028 : vector<256x2048xf32>
    %gt3A_1032 = arith.cmpf ogt, %mul3A_1022, %mul3A_1031 : vector<256x2048xf32>
    %iota3A_1033 = tpu.iota {dimensions = array<i32: 0>} : vector<256x1xi32>
    %add3A_1034 = arith.constant 1792 : i32
    %add3A_1035 = vector.broadcast %add3A_1034 : i32 to vector<256x1xi32>
    %add3A_1036 = arith.addi %iota3A_1033, %add3A_1035 : vector<256x1xi32>
    %gt3A_1037 = vector.broadcast %iota3A : vector<1x2048xi32> to vector<256x2048xi32>
    %gt3A_1038 = vector.broadcast %add3A_1036 : vector<256x1xi32> to vector<256x2048xi32>
    %gt3A_1039 = arith.cmpi sgt, %gt3A_1037, %gt3A_1038 : vector<256x2048xi32>
    %and3A_1040 = arith.andi %gt3A_1032, %gt3A_1039 : vector<256x2048xi1>
    %jit3A_1041 = arith.constant 1.000000e+00 : f32
    %jit3A_1042 = arith.constant 0.000000e+00 : f32
    %broadcast_in_dim3A_1043 = vector.broadcast %jit3A_1041 : f32 to vector<256x2048xf32>
    %broadcast_in_dim3A_1044 = vector.broadcast %jit3A_1042 : f32 to vector<256x2048xf32>
    %select_n3A_1045 = arith.select %and3A_1040, %broadcast_in_dim3A_1043, %broadcast_in_dim3A_1044 : vector<256x2048xi1>, vector<256x2048xf32>
    %reshape3A_1046 = vector.shape_cast %select_n3A_1045 : vector<256x2048xf32> to vector<2048x256xf32>
    %swap3A_1047 = arith.constant 14336 : index
    %swap3A_1048 = arith.constant 0 : index
    %swap3A_1049 = vector.load %arg8[%swap3A_1047, %swap3A_1048] : memref<16384x256xf32, #tpu.memory_space<vmem>>, vector<2048x256xf32>
    tpu.vector_store %arg8[%swap3A_1047, %swap3A_1048], %reshape3A_1046 {strides = array<i32>} : memref<16384x256xf32, #tpu.memory_space<vmem>>, vector<2048x256xf32>,
    %iota3A_1050 = tpu.iota {dimensions = array<i32: 0>} : vector<8x256xi32>
    %mul3A_1051 = arith.constant 256 : i32
    %mul3A_1052 = vector.broadcast %mul3A_1051 : i32 to vector<8x256xi32>
    %mul3A_1053 = arith.muli %iota3A_1050, %mul3A_1052 : vector<8x256xi32>
    %iota3A_1054 = tpu.iota {dimensions = array<i32: 1>} : vector<8x256xi32>
    %add3A_1055 = arith.addi %mul3A_1053, %iota3A_1054 : vector<8x256xi32>
    %broadcast_in_dim3A_1056 = arith.constant 1.000000e+00 : f32
    %broadcast_in_dim3A_1057 = vector.broadcast %broadcast_in_dim3A_1056 : f32 to vector<8x256xf32>
    %scan3A = arith.constant 0 : i32
    %scan3A_1058 = arith.constant 500 : i32
    %scan3A_1059 = arith.addi %scan3A, %scan3A_1058 : i32
    %scan3A_1060 = arith.constant 1 : i32
    %scan3A_1061 = scf.for %scan3A_1232 = %scan3A to %scan3A_1059 step %scan3A_1060 iter_args(%scan3A_1233 = %broadcast_in_dim3A_1057) -> (vector<8x256xf32>)  : i32 {
      %mul3A_1234 = arith.constant 4 : i32
      %mul3A_1235 = arith.muli %scan3A_1232, %mul3A_1234 : i32
      %add3A_1236 = arith.constant 0 : i32
      %add3A_1237 = arith.addi %mul3A_1235, %add3A_1236 : i32
      %mul3A_1238 = arith.constant 8 : i32
      %mul3A_1239 = arith.muli %add3A_1237, %mul3A_1238 : i32
      %get3A_1240 = arith.index_cast %mul3A_1239 : i32 to index
      %get3A_1241 = arith.constant 0 : index
      %get3A_1242 = vector.load %arg8[%get3A_1240, %get3A_1241] : memref<16384x256xf32, #tpu.memory_space<vmem>>, vector<8x256xf32>
      %add3A_1243 = arith.constant 1 : i32
      %add3A_1244 = arith.addi %mul3A_1235, %add3A_1243 : i32
      %mul3A_1245 = arith.constant 8 : i32
      %mul3A_1246 = arith.muli %add3A_1244, %mul3A_1245 : i32
      %get3A_1247 = arith.index_cast %mul3A_1246 : i32 to index
      %get3A_1248 = arith.constant 0 : index
      %get3A_1249 = vector.load %arg8[%get3A_1247, %get3A_1248] : memref<16384x256xf32, #tpu.memory_space<vmem>>, vector<8x256xf32>
      %add3A_1250 = arith.constant 2 : i32
      %add3A_1251 = arith.addi %mul3A_1235, %add3A_1250 : i32
      %mul3A_1252 = arith.constant 8 : i32
      %mul3A_1253 = arith.muli %add3A_1251, %mul3A_1252 : i32
      %get3A_1254 = arith.index_cast %mul3A_1253 : i32 to index
      %get3A_1255 = arith.constant 0 : index
      %get3A_1256 = vector.load %arg8[%get3A_1254, %get3A_1255] : memref<16384x256xf32, #tpu.memory_space<vmem>>, vector<8x256xf32>
      %add3A_1257 = arith.constant 3 : i32
      %add3A_1258 = arith.addi %mul3A_1235, %add3A_1257 : i32
      %mul3A_1259 = arith.constant 8 : i32
      %mul3A_1260 = arith.muli %add3A_1258, %mul3A_1259 : i32
      %get3A_1261 = arith.index_cast %mul3A_1260 : i32 to index
      %get3A_1262 = arith.constant 0 : index
      %get3A_1263 = vector.load %arg8[%get3A_1261, %get3A_1262] : memref<16384x256xf32, #tpu.memory_space<vmem>>, vector<8x256xf32>
      %add3A_1264 = arith.constant 0 : i32
      %add3A_1265 = arith.addi %mul3A_1235, %add3A_1264 : i32
      %eq3A_1266 = vector.broadcast %add3A_1265 : i32 to vector<8x256xi32>
      %eq3A_1267 = arith.cmpi eq, %add3A_1055, %eq3A_1266 : vector<8x256xi32>
      %jit3A_1268 = arith.constant 0.000000e+00 : f32
      %broadcast_in_dim3A_1269 = vector.broadcast %jit3A_1268 : f32 to vector<8x256xf32>
      %select_n3A_1270 = arith.select %eq3A_1267, %scan3A_1233, %broadcast_in_dim3A_1269 : vector<8x256xi1>, vector<8x256xf32>
      %reduce_sum3A_1271 = vector.shape_cast %select_n3A_1270 : vector<8x256xf32> to vector<1x8x256xf32>
      %reduce_sum3A_1272 = arith.constant dense<0.000000e+00> : vector<1xf32>
      %reduce_sum3A_1273 = vector.multi_reduction <add>, %reduce_sum3A_1271, %reduce_sum3A_1272 [1, 2] : vector<1x8x256xf32> to vector<1xf32>
      %reduce_sum3A_1274 = vector.shape_cast %reduce_sum3A_1273 : vector<1xf32> to vector<1x1x1xf32>
      %reduce_sum3A_1275 = vector.extract %reduce_sum3A_1274[0, 0, 0] : f32 from vector<1x1x1xf32>
      %add3A_1276 = arith.constant 1 : i32
      %add3A_1277 = arith.addi %mul3A_1235, %add3A_1276 : i32
      %eq3A_1278 = vector.broadcast %add3A_1277 : i32 to vector<8x256xi32>
      %eq3A_1279 = arith.cmpi eq, %add3A_1055, %eq3A_1278 : vector<8x256xi32>
      %jit3A_1280 = arith.constant 0.000000e+00 : f32
      %broadcast_in_dim3A_1281 = vector.broadcast %jit3A_1280 : f32 to vector<8x256xf32>
      %select_n3A_1282 = arith.select %eq3A_1279, %scan3A_1233, %broadcast_in_dim3A_1281 : vector<8x256xi1>, vector<8x256xf32>
      %reduce_sum3A_1283 = vector.shape_cast %select_n3A_1282 : vector<8x256xf32> to vector<1x8x256xf32>
      %reduce_sum3A_1284 = arith.constant dense<0.000000e+00> : vector<1xf32>
      %reduce_sum3A_1285 = vector.multi_reduction <add>, %reduce_sum3A_1283, %reduce_sum3A_1284 [1, 2] : vector<1x8x256xf32> to vector<1xf32>
      %reduce_sum3A_1286 = vector.shape_cast %reduce_sum3A_1285 : vector<1xf32> to vector<1x1x1xf32>
      %reduce_sum3A_1287 = vector.extract %reduce_sum3A_1286[0, 0, 0] : f32 from vector<1x1x1xf32>
      %add3A_1288 = arith.constant 2 : i32
      %add3A_1289 = arith.addi %mul3A_1235, %add3A_1288 : i32
      %eq3A_1290 = vector.broadcast %add3A_1289 : i32 to vector<8x256xi32>
      %eq3A_1291 = arith.cmpi eq, %add3A_1055, %eq3A_1290 : vector<8x256xi32>
      %jit3A_1292 = arith.constant 0.000000e+00 : f32
      %broadcast_in_dim3A_1293 = vector.broadcast %jit3A_1292 : f32 to vector<8x256xf32>
      %select_n3A_1294 = arith.select %eq3A_1291, %scan3A_1233, %broadcast_in_dim3A_1293 : vector<8x256xi1>, vector<8x256xf32>
      %reduce_sum3A_1295 = vector.shape_cast %select_n3A_1294 : vector<8x256xf32> to vector<1x8x256xf32>
      %reduce_sum3A_1296 = arith.constant dense<0.000000e+00> : vector<1xf32>
      %reduce_sum3A_1297 = vector.multi_reduction <add>, %reduce_sum3A_1295, %reduce_sum3A_1296 [1, 2] : vector<1x8x256xf32> to vector<1xf32>
      %reduce_sum3A_1298 = vector.shape_cast %reduce_sum3A_1297 : vector<1xf32> to vector<1x1x1xf32>
      %reduce_sum3A_1299 = vector.extract %reduce_sum3A_1298[0, 0, 0] : f32 from vector<1x1x1xf32>
      %add3A_1300 = arith.constant 3 : i32
      %add3A_1301 = arith.addi %mul3A_1235, %add3A_1300 : i32
      %eq3A_1302 = vector.broadcast %add3A_1301 : i32 to vector<8x256xi32>
      %eq3A_1303 = arith.cmpi eq, %add3A_1055, %eq3A_1302 : vector<8x256xi32>
      %jit3A_1304 = arith.constant 0.000000e+00 : f32
      %broadcast_in_dim3A_1305 = vector.broadcast %jit3A_1304 : f32 to vector<8x256xf32>
      %select_n3A_1306 = arith.select %eq3A_1303, %scan3A_1233, %broadcast_in_dim3A_1305 : vector<8x256xi1>, vector<8x256xf32>
      %reduce_sum3A_1307 = vector.shape_cast %select_n3A_1306 : vector<8x256xf32> to vector<1x8x256xf32>
      %reduce_sum3A_1308 = arith.constant dense<0.000000e+00> : vector<1xf32>
      %reduce_sum3A_1309 = vector.multi_reduction <add>, %reduce_sum3A_1307, %reduce_sum3A_1308 [1, 2] : vector<1x8x256xf32> to vector<1xf32>
      %reduce_sum3A_1310 = vector.shape_cast %reduce_sum3A_1309 : vector<1xf32> to vector<1x1x1xf32>
      %reduce_sum3A_1311 = vector.extract %reduce_sum3A_1310[0, 0, 0] : f32 from vector<1x1x1xf32>
      %add3A_1312 = arith.constant 1 : i32
      %add3A_1313 = arith.addi %mul3A_1235, %add3A_1312 : i32
      %eq3A_1314 = vector.broadcast %add3A_1313 : i32 to vector<8x256xi32>
      %eq3A_1315 = arith.cmpi eq, %add3A_1055, %eq3A_1314 : vector<8x256xi32>
      %jit3A_1316 = arith.constant 0.000000e+00 : f32
      %broadcast_in_dim3A_1317 = vector.broadcast %jit3A_1316 : f32 to vector<8x256xf32>
      %select_n3A_1318 = arith.select %eq3A_1315, %get3A_1242, %broadcast_in_dim3A_1317 : vector<8x256xi1>, vector<8x256xf32>
      %reduce_sum3A_1319 = vector.shape_cast %select_n3A_1318 : vector<8x256xf32> to vector<1x8x256xf32>
      %reduce_sum3A_1320 = arith.constant dense<0.000000e+00> : vector<1xf32>
      %reduce_sum3A_1321 = vector.multi_reduction <add>, %reduce_sum3A_1319, %reduce_sum3A_1320 [1, 2] : vector<1x8x256xf32> to vector<1xf32>
      %reduce_sum3A_1322 = vector.shape_cast %reduce_sum3A_1321 : vector<1xf32> to vector<1x1x1xf32>
      %reduce_sum3A_1323 = vector.extract %reduce_sum3A_1322[0, 0, 0] : f32 from vector<1x1x1xf32>
      %add3A_1324 = arith.constant 2 : i32
      %add3A_1325 = arith.addi %mul3A_1235, %add3A_1324 : i32
      %eq3A_1326 = vector.broadcast %add3A_1325 : i32 to vector<8x256xi32>
      %eq3A_1327 = arith.cmpi eq, %add3A_1055, %eq3A_1326 : vector<8x256xi32>
      %jit3A_1328 = arith.constant 0.000000e+00 : f32
      %broadcast_in_dim3A_1329 = vector.broadcast %jit3A_1328 : f32 to vector<8x256xf32>
      %select_n3A_1330 = arith.select %eq3A_1327, %get3A_1242, %broadcast_in_dim3A_1329 : vector<8x256xi1>, vector<8x256xf32>
      %reduce_sum3A_1331 = vector.shape_cast %select_n3A_1330 : vector<8x256xf32> to vector<1x8x256xf32>
      %reduce_sum3A_1332 = arith.constant dense<0.000000e+00> : vector<1xf32>
      %reduce_sum3A_1333 = vector.multi_reduction <add>, %reduce_sum3A_1331, %reduce_sum3A_1332 [1, 2] : vector<1x8x256xf32> to vector<1xf32>
      %reduce_sum3A_1334 = vector.shape_cast %reduce_sum3A_1333 : vector<1xf32> to vector<1x1x1xf32>
      %reduce_sum3A_1335 = vector.extract %reduce_sum3A_1334[0, 0, 0] : f32 from vector<1x1x1xf32>
      %add3A_1336 = arith.constant 3 : i32
      %add3A_1337 = arith.addi %mul3A_1235, %add3A_1336 : i32
      %eq3A_1338 = vector.broadcast %add3A_1337 : i32 to vector<8x256xi32>
      %eq3A_1339 = arith.cmpi eq, %add3A_1055, %eq3A_1338 : vector<8x256xi32>
      %jit3A_1340 = arith.constant 0.000000e+00 : f32
      %broadcast_in_dim3A_1341 = vector.broadcast %jit3A_1340 : f32 to vector<8x256xf32>
      %select_n3A_1342 = arith.select %eq3A_1339, %get3A_1242, %broadcast_in_dim3A_1341 : vector<8x256xi1>, vector<8x256xf32>
      %reduce_sum3A_1343 = vector.shape_cast %select_n3A_1342 : vector<8x256xf32> to vector<1x8x256xf32>
      %reduce_sum3A_1344 = arith.constant dense<0.000000e+00> : vector<1xf32>
      %reduce_sum3A_1345 = vector.multi_reduction <add>, %reduce_sum3A_1343, %reduce_sum3A_1344 [1, 2] : vector<1x8x256xf32> to vector<1xf32>
      %reduce_sum3A_1346 = vector.shape_cast %reduce_sum3A_1345 : vector<1xf32> to vector<1x1x1xf32>
      %reduce_sum3A_1347 = vector.extract %reduce_sum3A_1346[0, 0, 0] : f32 from vector<1x1x1xf32>
      %add3A_1348 = arith.constant 2 : i32
      %add3A_1349 = arith.addi %mul3A_1235, %add3A_1348 : i32
      %eq3A_1350 = vector.broadcast %add3A_1349 : i32 to vector<8x256xi32>
      %eq3A_1351 = arith.cmpi eq, %add3A_1055, %eq3A_1350 : vector<8x256xi32>
      %jit3A_1352 = arith.constant 0.000000e+00 : f32
      %broadcast_in_dim3A_1353 = vector.broadcast %jit3A_1352 : f32 to vector<8x256xf32>
      %select_n3A_1354 = arith.select %eq3A_1351, %get3A_1249, %broadcast_in_dim3A_1353 : vector<8x256xi1>, vector<8x256xf32>
      %reduce_sum3A_1355 = vector.shape_cast %select_n3A_1354 : vector<8x256xf32> to vector<1x8x256xf32>
      %reduce_sum3A_1356 = arith.constant dense<0.000000e+00> : vector<1xf32>
      %reduce_sum3A_1357 = vector.multi_reduction <add>, %reduce_sum3A_1355, %reduce_sum3A_1356 [1, 2] : vector<1x8x256xf32> to vector<1xf32>
      %reduce_sum3A_1358 = vector.shape_cast %reduce_sum3A_1357 : vector<1xf32> to vector<1x1x1xf32>
      %reduce_sum3A_1359 = vector.extract %reduce_sum3A_1358[0, 0, 0] : f32 from vector<1x1x1xf32>
      %add3A_1360 = arith.constant 3 : i32
      %add3A_1361 = arith.addi %mul3A_1235, %add3A_1360 : i32
      %eq3A_1362 = vector.broadcast %add3A_1361 : i32 to vector<8x256xi32>
      %eq3A_1363 = arith.cmpi eq, %add3A_1055, %eq3A_1362 : vector<8x256xi32>
      %jit3A_1364 = arith.constant 0.000000e+00 : f32
      %broadcast_in_dim3A_1365 = vector.broadcast %jit3A_1364 : f32 to vector<8x256xf32>
      %select_n3A_1366 = arith.select %eq3A_1363, %get3A_1249, %broadcast_in_dim3A_1365 : vector<8x256xi1>, vector<8x256xf32>
      %reduce_sum3A_1367 = vector.shape_cast %select_n3A_1366 : vector<8x256xf32> to vector<1x8x256xf32>
      %reduce_sum3A_1368 = arith.constant dense<0.000000e+00> : vector<1xf32>
      %reduce_sum3A_1369 = vector.multi_reduction <add>, %reduce_sum3A_1367, %reduce_sum3A_1368 [1, 2] : vector<1x8x256xf32> to vector<1xf32>
      %reduce_sum3A_1370 = vector.shape_cast %reduce_sum3A_1369 : vector<1xf32> to vector<1x1x1xf32>
      %reduce_sum3A_1371 = vector.extract %reduce_sum3A_1370[0, 0, 0] : f32 from vector<1x1x1xf32>
      %add3A_1372 = arith.constant 3 : i32
      %add3A_1373 = arith.addi %mul3A_1235, %add3A_1372 : i32
      %eq3A_1374 = vector.broadcast %add3A_1373 : i32 to vector<8x256xi32>
      %eq3A_1375 = arith.cmpi eq, %add3A_1055, %eq3A_1374 : vector<8x256xi32>
      %jit3A_1376 = arith.constant 0.000000e+00 : f32
      %broadcast_in_dim3A_1377 = vector.broadcast %jit3A_1376 : f32 to vector<8x256xf32>
      %select_n3A_1378 = arith.select %eq3A_1375, %get3A_1256, %broadcast_in_dim3A_1377 : vector<8x256xi1>, vector<8x256xf32>
      %reduce_sum3A_1379 = vector.shape_cast %select_n3A_1378 : vector<8x256xf32> to vector<1x8x256xf32>
      %reduce_sum3A_1380 = arith.constant dense<0.000000e+00> : vector<1xf32>
      %reduce_sum3A_1381 = vector.multi_reduction <add>, %reduce_sum3A_1379, %reduce_sum3A_1380 [1, 2] : vector<1x8x256xf32> to vector<1xf32>
      %reduce_sum3A_1382 = vector.shape_cast %reduce_sum3A_1381 : vector<1xf32> to vector<1x1x1xf32>
      %reduce_sum3A_1383 = vector.extract %reduce_sum3A_1382[0, 0, 0] : f32 from vector<1x1x1xf32>
      %mul3A_1384 = arith.mulf %reduce_sum3A_1323, %reduce_sum3A_1275 : f32
      %sub3A_1385 = arith.constant 1.000000e+00 : f32
      %sub3A_1386 = arith.subf %sub3A_1385, %mul3A_1384 : f32
      %mul3A_1387 = arith.mulf %reduce_sum3A_1287, %sub3A_1386 : f32
      %mul3A_1388 = arith.mulf %reduce_sum3A_1335, %reduce_sum3A_1275 : f32
      %sub3A_1389 = arith.constant 1.000000e+00 : f32
      %sub3A_1390 = arith.subf %sub3A_1389, %mul3A_1388 : f32
      %mul3A_1391 = arith.mulf %reduce_sum3A_1299, %sub3A_1390 : f32
      %mul3A_1392 = arith.mulf %reduce_sum3A_1359, %mul3A_1387 : f32
      %sub3A_1393 = arith.constant 1.000000e+00 : f32
      %sub3A_1394 = arith.subf %sub3A_1393, %mul3A_1392 : f32
      %mul3A_1395 = arith.mulf %mul3A_1391, %sub3A_1394 : f32
      %mul3A_1396 = arith.mulf %reduce_sum3A_1347, %reduce_sum3A_1275 : f32
      %sub3A_1397 = arith.constant 1.000000e+00 : f32
      %sub3A_1398 = arith.subf %sub3A_1397, %mul3A_1396 : f32
      %mul3A_1399 = arith.mulf %reduce_sum3A_1311, %sub3A_1398 : f32
      %mul3A_1400 = arith.mulf %reduce_sum3A_1371, %mul3A_1387 : f32
      %sub3A_1401 = arith.constant 1.000000e+00 : f32
      %sub3A_1402 = arith.subf %sub3A_1401, %mul3A_1400 : f32
      %mul3A_1403 = arith.mulf %mul3A_1399, %sub3A_1402 : f32
      %mul3A_1404 = arith.mulf %reduce_sum3A_1383, %mul3A_1395 : f32
      %sub3A_1405 = arith.constant 1.000000e+00 : f32
      %sub3A_1406 = arith.subf %sub3A_1405, %mul3A_1404 : f32
      %mul3A_1407 = arith.mulf %mul3A_1403, %sub3A_1406 : f32
      %mul3A_1408 = vector.broadcast %reduce_sum3A_1275 : f32 to vector<8x256xf32>
      %mul3A_1409 = arith.mulf %get3A_1242, %mul3A_1408 : vector<8x256xf32>
      %sub3A_1410 = arith.constant 1.000000e+00 : f32
      %sub3A_1411 = vector.broadcast %sub3A_1410 : f32 to vector<8x256xf32>
      %sub3A_1412 = arith.subf %sub3A_1411, %mul3A_1409 : vector<8x256xf32>
      %mul3A_1413 = vector.broadcast %mul3A_1387 : f32 to vector<8x256xf32>
      %mul3A_1414 = arith.mulf %get3A_1249, %mul3A_1413 : vector<8x256xf32>
      %sub3A_1415 = arith.constant 1.000000e+00 : f32
      %sub3A_1416 = vector.broadcast %sub3A_1415 : f32 to vector<8x256xf32>
      %sub3A_1417 = arith.subf %sub3A_1416, %mul3A_1414 : vector<8x256xf32>
      %mul3A_1418 = arith.mulf %sub3A_1412, %sub3A_1417 : vector<8x256xf32>
      %mul3A_1419 = vector.broadcast %mul3A_1395 : f32 to vector<8x256xf32>
      %mul3A_1420 = arith.mulf %get3A_1256, %mul3A_1419 : vector<8x256xf32>
      %sub3A_1421 = arith.constant 1.000000e+00 : f32
      %sub3A_1422 = vector.broadcast %sub3A_1421 : f32 to vector<8x256xf32>
      %sub3A_1423 = arith.subf %sub3A_1422, %mul3A_1420 : vector<8x256xf32>
      %mul3A_1424 = arith.mulf %mul3A_1418, %sub3A_1423 : vector<8x256xf32>
      %mul3A_1425 = vector.broadcast %mul3A_1407 : f32 to vector<8x256xf32>
      %mul3A_1426 = arith.mulf %get3A_1263, %mul3A_1425 : vector<8x256xf32>
      %sub3A_1427 = arith.constant 1.000000e+00 : f32
      %sub3A_1428 = vector.broadcast %sub3A_1427 : f32 to vector<8x256xf32>
      %sub3A_1429 = arith.subf %sub3A_1428, %mul3A_1426 : vector<8x256xf32>
      %mul3A_1430 = arith.mulf %mul3A_1424, %sub3A_1429 : vector<8x256xf32>
      %mul3A_1431 = arith.mulf %scan3A_1233, %mul3A_1430 : vector<8x256xf32>
      scf.yield %mul3A_1431 : vector<8x256xf32>
    }
    %scan3A_1062 = arith.constant 500 : i32
    %reshape3A_1063 = vector.shape_cast %scan3A_1061 : vector<8x256xf32> to vector<1x2048xf32>
    %lt3A = arith.constant 2000 : i32
    %lt3A_1064 = vector.broadcast %lt3A : i32 to vector<1x2048xi32>
    %lt3A_1065 = arith.cmpi slt, %iota3A, %lt3A_1064 : vector<1x2048xi32>
    %jit3A_1066 = arith.constant 0.000000e+00 : f32
    %broadcast_in_dim3A_1067 = vector.broadcast %jit3A_1066 : f32 to vector<1x2048xf32>
    %select_n3A_1068 = arith.select %lt3A_1065, %reshape3A_1063, %broadcast_in_dim3A_1067 : vector<1x2048xi1>, vector<1x2048xf32>
    %get3A_1069 = arith.constant 0 : index
    %get3A_1070 = arith.constant 0 : index
    %get3A_1071 = arith.constant 0 : index
    %get3A_1072 = vector.load %arg5[%get3A_1069, %get3A_1070, %get3A_1071] : memref<1x1x2048xf32, #tpu.memory_space<vmem>>, vector<1x1x2048xf32>
    %get3A_1073 = vector.shape_cast %get3A_1072 : vector<1x1x2048xf32> to vector<1x2048xf32>
    %gt3A_1074 = arith.constant 5.000000e-01 : f32
    %gt3A_1075 = vector.broadcast %gt3A_1074 : f32 to vector<1x2048xf32>
    %gt3A_1076 = arith.cmpf ogt, %select_n3A_1068, %gt3A_1075 : vector<1x2048xf32>
    %jit3A_1077 = arith.constant -1.000000e+09 : f32
    %broadcast_in_dim3A_1078 = vector.broadcast %jit3A_1077 : f32 to vector<1x2048xf32>
    %select_n3A_1079 = arith.select %gt3A_1076, %get3A_1073, %broadcast_in_dim3A_1078 : vector<1x2048xi1>, vector<1x2048xf32>
    %broadcast_in_dim3A_1080 = arith.constant 0.000000e+00 : f32
    %broadcast_in_dim3A_1081 = vector.broadcast %broadcast_in_dim3A_1080 : f32 to vector<1x1xf32>
    %slice3A_1082 = vector.extract_strided_slice %select_n3A_1068 {offsets = [0, 0], sizes = [1, 2047], strides = [1, 1]} : vector<1x2048xf32> to vector<1x2047xf32>
    %concatenate3A = tpu.concatenate %broadcast_in_dim3A_1081, %slice3A_1082 in 1 : vector<1x1xf32>, vector<1x2047xf32> -> vector<1x2048xf32>
    %add3A_1083 = arith.addf %select_n3A_1068, %concatenate3A : vector<1x2048xf32>
    %broadcast_in_dim3A_1084 = arith.constant 0.000000e+00 : f32
    %broadcast_in_dim3A_1085 = vector.broadcast %broadcast_in_dim3A_1084 : f32 to vector<1x2xf32>
    %slice3A_1086 = vector.extract_strided_slice %add3A_1083 {offsets = [0, 0], sizes = [1, 2046], strides = [1, 1]} : vector<1x2048xf32> to vector<1x2046xf32>
    %concatenate3A_1087 = tpu.concatenate %broadcast_in_dim3A_1085, %slice3A_1086 in 1 : vector<1x2xf32>, vector<1x2046xf32> -> vector<1x2048xf32>
    %add3A_1088 = arith.addf %add3A_1083, %concatenate3A_1087 : vector<1x2048xf32>
    %broadcast_in_dim3A_1089 = arith.constant 0.000000e+00 : f32
    %broadcast_in_dim3A_1090 = vector.broadcast %broadcast_in_dim3A_1089 : f32 to vector<1x4xf32>
    %slice3A_1091 = vector.extract_strided_slice %add3A_1088 {offsets = [0, 0], sizes = [1, 2044], strides = [1, 1]} : vector<1x2048xf32> to vector<1x2044xf32>
    %concatenate3A_1092 = tpu.concatenate %broadcast_in_dim3A_1090, %slice3A_1091 in 1 : vector<1x4xf32>, vector<1x2044xf32> -> vector<1x2048xf32>
    %add3A_1093 = arith.addf %add3A_1088, %concatenate3A_1092 : vector<1x2048xf32>
    %broadcast_in_dim3A_1094 = arith.constant 0.000000e+00 : f32
    %broadcast_in_dim3A_1095 = vector.broadcast %broadcast_in_dim3A_1094 : f32 to vector<1x8xf32>
    %slice3A_1096 = vector.extract_strided_slice %add3A_1093 {offsets = [0, 0], sizes = [1, 2040], strides = [1, 1]} : vector<1x2048xf32> to vector<1x2040xf32>
    %concatenate3A_1097 = tpu.concatenate %broadcast_in_dim3A_1095, %slice3A_1096 in 1 : vector<1x8xf32>, vector<1x2040xf32> -> vector<1x2048xf32>
    %add3A_1098 = arith.addf %add3A_1093, %concatenate3A_1097 : vector<1x2048xf32>
    %broadcast_in_dim3A_1099 = arith.constant 0.000000e+00 : f32
    %broadcast_in_dim3A_1100 = vector.broadcast %broadcast_in_dim3A_1099 : f32 to vector<1x16xf32>
    %slice3A_1101 = vector.extract_strided_slice %add3A_1098 {offsets = [0, 0], sizes = [1, 2032], strides = [1, 1]} : vector<1x2048xf32> to vector<1x2032xf32>
    %concatenate3A_1102 = tpu.concatenate %broadcast_in_dim3A_1100, %slice3A_1101 in 1 : vector<1x16xf32>, vector<1x2032xf32> -> vector<1x2048xf32>
    %add3A_1103 = arith.addf %add3A_1098, %concatenate3A_1102 : vector<1x2048xf32>
    %broadcast_in_dim3A_1104 = arith.constant 0.000000e+00 : f32
    %broadcast_in_dim3A_1105 = vector.broadcast %broadcast_in_dim3A_1104 : f32 to vector<1x32xf32>
    %slice3A_1106 = vector.extract_strided_slice %add3A_1103 {offsets = [0, 0], sizes = [1, 2016], strides = [1, 1]} : vector<1x2048xf32> to vector<1x2016xf32>
    %concatenate3A_1107 = tpu.concatenate %broadcast_in_dim3A_1105, %slice3A_1106 in 1 : vector<1x32xf32>, vector<1x2016xf32> -> vector<1x2048xf32>
    %add3A_1108 = arith.addf %add3A_1103, %concatenate3A_1107 : vector<1x2048xf32>
    %broadcast_in_dim3A_1109 = arith.constant 0.000000e+00 : f32
    %broadcast_in_dim3A_1110 = vector.broadcast %broadcast_in_dim3A_1109 : f32 to vector<1x64xf32>
    %slice3A_1111 = vector.extract_strided_slice %add3A_1108 {offsets = [0, 0], sizes = [1, 1984], strides = [1, 1]} : vector<1x2048xf32> to vector<1x1984xf32>
    %concatenate3A_1112 = tpu.concatenate %broadcast_in_dim3A_1110, %slice3A_1111 in 1 : vector<1x64xf32>, vector<1x1984xf32> -> vector<1x2048xf32>
    %add3A_1113 = arith.addf %add3A_1108, %concatenate3A_1112 : vector<1x2048xf32>
    %broadcast_in_dim3A_1114 = arith.constant 0.000000e+00 : f32
    %broadcast_in_dim3A_1115 = vector.broadcast %broadcast_in_dim3A_1114 : f32 to vector<1x128xf32>
    %slice3A_1116 = vector.extract_strided_slice %add3A_1113 {offsets = [0, 0], sizes = [1, 1920], strides = [1, 1]} : vector<1x2048xf32> to vector<1x1920xf32>
    %concatenate3A_1117 = tpu.concatenate %broadcast_in_dim3A_1115, %slice3A_1116 in 1 : vector<1x128xf32>, vector<1x1920xf32> -> vector<1x2048xf32>
    %add3A_1118 = arith.addf %add3A_1113, %concatenate3A_1117 : vector<1x2048xf32>
    %broadcast_in_dim3A_1119 = arith.constant 0.000000e+00 : f32
    %broadcast_in_dim3A_1120 = vector.broadcast %broadcast_in_dim3A_1119 : f32 to vector<1x256xf32>
    %slice3A_1121 = vector.extract_strided_slice %add3A_1118 {offsets = [0, 0], sizes = [1, 1792], strides = [1, 1]} : vector<1x2048xf32> to vector<1x1792xf32>
    %concatenate3A_1122 = tpu.concatenate %broadcast_in_dim3A_1120, %slice3A_1121 in 1 : vector<1x256xf32>, vector<1x1792xf32> -> vector<1x2048xf32>
    %add3A_1123 = arith.addf %add3A_1118, %concatenate3A_1122 : vector<1x2048xf32>
    %broadcast_in_dim3A_1124 = arith.constant 0.000000e+00 : f32
    %broadcast_in_dim3A_1125 = vector.broadcast %broadcast_in_dim3A_1124 : f32 to vector<1x512xf32>
    %slice3A_1126 = vector.extract_strided_slice %add3A_1123 {offsets = [0, 0], sizes = [1, 1536], strides = [1, 1]} : vector<1x2048xf32> to vector<1x1536xf32>
    %concatenate3A_1127 = tpu.concatenate %broadcast_in_dim3A_1125, %slice3A_1126 in 1 : vector<1x512xf32>, vector<1x1536xf32> -> vector<1x2048xf32>
    %add3A_1128 = arith.addf %add3A_1123, %concatenate3A_1127 : vector<1x2048xf32>
    %broadcast_in_dim3A_1129 = arith.constant 0.000000e+00 : f32
    %broadcast_in_dim3A_1130 = vector.broadcast %broadcast_in_dim3A_1129 : f32 to vector<1x1024xf32>
    %slice3A_1131 = vector.extract_strided_slice %add3A_1128 {offsets = [0, 0], sizes = [1, 1024], strides = [1, 1]} : vector<1x2048xf32> to vector<1x1024xf32>
    %concatenate3A_1132 = tpu.concatenate %broadcast_in_dim3A_1130, %slice3A_1131 in 1 : vector<1x1024xf32>, vector<1x1024xf32> -> vector<1x2048xf32>
    %add3A_1133 = arith.addf %add3A_1128, %concatenate3A_1132 : vector<1x2048xf32>
    %sub3A_1134 = arith.constant 1.000000e+00 : f32
    %sub3A_1135 = vector.broadcast %sub3A_1134 : f32 to vector<1x2048xf32>
    %sub3A_1136 = arith.subf %sub3A_1135, %select_n3A_1068 : vector<1x2048xf32>
    %broadcast_in_dim3A_1137 = arith.constant 0.000000e+00 : f32
    %broadcast_in_dim3A_1138 = vector.broadcast %broadcast_in_dim3A_1137 : f32 to vector<1x1xf32>
    %slice3A_1139 = vector.extract_strided_slice %sub3A_1136 {offsets = [0, 0], sizes = [1, 2047], strides = [1, 1]} : vector<1x2048xf32> to vector<1x2047xf32>
    %concatenate3A_1140 = tpu.concatenate %broadcast_in_dim3A_1138, %slice3A_1139 in 1 : vector<1x1xf32>, vector<1x2047xf32> -> vector<1x2048xf32>
    %add3A_1141 = arith.addf %sub3A_1136, %concatenate3A_1140 : vector<1x2048xf32>
    %broadcast_in_dim3A_1142 = arith.constant 0.000000e+00 : f32
    %broadcast_in_dim3A_1143 = vector.broadcast %broadcast_in_dim3A_1142 : f32 to vector<1x2xf32>
    %slice3A_1144 = vector.extract_strided_slice %add3A_1141 {offsets = [0, 0], sizes = [1, 2046], strides = [1, 1]} : vector<1x2048xf32> to vector<1x2046xf32>
    %concatenate3A_1145 = tpu.concatenate %broadcast_in_dim3A_1143, %slice3A_1144 in 1 : vector<1x2xf32>, vector<1x2046xf32> -> vector<1x2048xf32>
    %add3A_1146 = arith.addf %add3A_1141, %concatenate3A_1145 : vector<1x2048xf32>
    %broadcast_in_dim3A_1147 = arith.constant 0.000000e+00 : f32
    %broadcast_in_dim3A_1148 = vector.broadcast %broadcast_in_dim3A_1147 : f32 to vector<1x4xf32>
    %slice3A_1149 = vector.extract_strided_slice %add3A_1146 {offsets = [0, 0], sizes = [1, 2044], strides = [1, 1]} : vector<1x2048xf32> to vector<1x2044xf32>
    %concatenate3A_1150 = tpu.concatenate %broadcast_in_dim3A_1148, %slice3A_1149 in 1 : vector<1x4xf32>, vector<1x2044xf32> -> vector<1x2048xf32>
    %add3A_1151 = arith.addf %add3A_1146, %concatenate3A_1150 : vector<1x2048xf32>
    %broadcast_in_dim3A_1152 = arith.constant 0.000000e+00 : f32
    %broadcast_in_dim3A_1153 = vector.broadcast %broadcast_in_dim3A_1152 : f32 to vector<1x8xf32>
    %slice3A_1154 = vector.extract_strided_slice %add3A_1151 {offsets = [0, 0], sizes = [1, 2040], strides = [1, 1]} : vector<1x2048xf32> to vector<1x2040xf32>
    %concatenate3A_1155 = tpu.concatenate %broadcast_in_dim3A_1153, %slice3A_1154 in 1 : vector<1x8xf32>, vector<1x2040xf32> -> vector<1x2048xf32>
    %add3A_1156 = arith.addf %add3A_1151, %concatenate3A_1155 : vector<1x2048xf32>
    %broadcast_in_dim3A_1157 = arith.constant 0.000000e+00 : f32
    %broadcast_in_dim3A_1158 = vector.broadcast %broadcast_in_dim3A_1157 : f32 to vector<1x16xf32>
    %slice3A_1159 = vector.extract_strided_slice %add3A_1156 {offsets = [0, 0], sizes = [1, 2032], strides = [1, 1]} : vector<1x2048xf32> to vector<1x2032xf32>
    %concatenate3A_1160 = tpu.concatenate %broadcast_in_dim3A_1158, %slice3A_1159 in 1 : vector<1x16xf32>, vector<1x2032xf32> -> vector<1x2048xf32>
    %add3A_1161 = arith.addf %add3A_1156, %concatenate3A_1160 : vector<1x2048xf32>
    %broadcast_in_dim3A_1162 = arith.constant 0.000000e+00 : f32
    %broadcast_in_dim3A_1163 = vector.broadcast %broadcast_in_dim3A_1162 : f32 to vector<1x32xf32>
    %slice3A_1164 = vector.extract_strided_slice %add3A_1161 {offsets = [0, 0], sizes = [1, 2016], strides = [1, 1]} : vector<1x2048xf32> to vector<1x2016xf32>
    %concatenate3A_1165 = tpu.concatenate %broadcast_in_dim3A_1163, %slice3A_1164 in 1 : vector<1x32xf32>, vector<1x2016xf32> -> vector<1x2048xf32>
    %add3A_1166 = arith.addf %add3A_1161, %concatenate3A_1165 : vector<1x2048xf32>
    %broadcast_in_dim3A_1167 = arith.constant 0.000000e+00 : f32
    %broadcast_in_dim3A_1168 = vector.broadcast %broadcast_in_dim3A_1167 : f32 to vector<1x64xf32>
    %slice3A_1169 = vector.extract_strided_slice %add3A_1166 {offsets = [0, 0], sizes = [1, 1984], strides = [1, 1]} : vector<1x2048xf32> to vector<1x1984xf32>
    %concatenate3A_1170 = tpu.concatenate %broadcast_in_dim3A_1168, %slice3A_1169 in 1 : vector<1x64xf32>, vector<1x1984xf32> -> vector<1x2048xf32>
    %add3A_1171 = arith.addf %add3A_1166, %concatenate3A_1170 : vector<1x2048xf32>
    %broadcast_in_dim3A_1172 = arith.constant 0.000000e+00 : f32
    %broadcast_in_dim3A_1173 = vector.broadcast %broadcast_in_dim3A_1172 : f32 to vector<1x128xf32>
    %slice3A_1174 = vector.extract_strided_slice %add3A_1171 {offsets = [0, 0], sizes = [1, 1920], strides = [1, 1]} : vector<1x2048xf32> to vector<1x1920xf32>
    %concatenate3A_1175 = tpu.concatenate %broadcast_in_dim3A_1173, %slice3A_1174 in 1 : vector<1x128xf32>, vector<1x1920xf32> -> vector<1x2048xf32>
    %add3A_1176 = arith.addf %add3A_1171, %concatenate3A_1175 : vector<1x2048xf32>
    %broadcast_in_dim3A_1177 = arith.constant 0.000000e+00 : f32
    %broadcast_in_dim3A_1178 = vector.broadcast %broadcast_in_dim3A_1177 : f32 to vector<1x256xf32>
    %slice3A_1179 = vector.extract_strided_slice %add3A_1176 {offsets = [0, 0], sizes = [1, 1792], strides = [1, 1]} : vector<1x2048xf32> to vector<1x1792xf32>
    %concatenate3A_1180 = tpu.concatenate %broadcast_in_dim3A_1178, %slice3A_1179 in 1 : vector<1x256xf32>, vector<1x1792xf32> -> vector<1x2048xf32>
    %add3A_1181 = arith.addf %add3A_1176, %concatenate3A_1180 : vector<1x2048xf32>
    %broadcast_in_dim3A_1182 = arith.constant 0.000000e+00 : f32
    %broadcast_in_dim3A_1183 = vector.broadcast %broadcast_in_dim3A_1182 : f32 to vector<1x512xf32>
    %slice3A_1184 = vector.extract_strided_slice %add3A_1181 {offsets = [0, 0], sizes = [1, 1536], strides = [1, 1]} : vector<1x2048xf32> to vector<1x1536xf32>
    %concatenate3A_1185 = tpu.concatenate %broadcast_in_dim3A_1183, %slice3A_1184 in 1 : vector<1x512xf32>, vector<1x1536xf32> -> vector<1x2048xf32>
    %add3A_1186 = arith.addf %add3A_1181, %concatenate3A_1185 : vector<1x2048xf32>
    %broadcast_in_dim3A_1187 = arith.constant 0.000000e+00 : f32
    %broadcast_in_dim3A_1188 = vector.broadcast %broadcast_in_dim3A_1187 : f32 to vector<1x1024xf32>
    %slice3A_1189 = vector.extract_strided_slice %add3A_1186 {offsets = [0, 0], sizes = [1, 1024], strides = [1, 1]} : vector<1x2048xf32> to vector<1x1024xf32>
    %concatenate3A_1190 = tpu.concatenate %broadcast_in_dim3A_1188, %slice3A_1189 in 1 : vector<1x1024xf32>, vector<1x1024xf32> -> vector<1x2048xf32>
    %add3A_1191 = arith.addf %add3A_1186, %concatenate3A_1190 : vector<1x2048xf32>
    %reduce_sum3A = vector.shape_cast %select_n3A_1068 : vector<1x2048xf32> to vector<1x1x2048xf32>
    %reduce_sum3A_1192 = arith.constant dense<0.000000e+00> : vector<1xf32>
    %reduce_sum3A_1193 = vector.multi_reduction <add>, %reduce_sum3A, %reduce_sum3A_1192 [1, 2] : vector<1x1x2048xf32> to vector<1xf32>
    %reduce_sum3A_1194 = vector.shape_cast %reduce_sum3A_1193 : vector<1xf32> to vector<1x1x1xf32>
    %reduce_sum3A_1195 = vector.extract %reduce_sum3A_1194[0, 0, 0] : f32 from vector<1x1x1xf32>
    %gt3A_1196 = arith.constant 5.000000e-01 : f32
    %gt3A_1197 = vector.broadcast %gt3A_1196 : f32 to vector<1x2048xf32>
    %gt3A_1198 = arith.cmpf ogt, %select_n3A_1068, %gt3A_1197 : vector<1x2048xf32>
    %sub3A_1199 = arith.constant 1.000000e+00 : f32
    %sub3A_1200 = vector.broadcast %sub3A_1199 : f32 to vector<1x2048xf32>
    %sub3A_1201 = arith.subf %add3A_1133, %sub3A_1200 : vector<1x2048xf32>
    %add3A_1202 = vector.broadcast %reduce_sum3A_1195 : f32 to vector<1x2048xf32>
    %add3A_1203 = arith.addf %add3A_1202, %add3A_1191 : vector<1x2048xf32>
    %sub3A_1204 = arith.constant 1.000000e+00 : f32
    %sub3A_1205 = vector.broadcast %sub3A_1204 : f32 to vector<1x2048xf32>
    %sub3A_1206 = arith.subf %add3A_1203, %sub3A_1205 : vector<1x2048xf32>
    %select_n3A_1207 = arith.select %gt3A_1198, %sub3A_1201, %sub3A_1206 : vector<1x2048xi1>, vector<1x2048xf32>
    %iota3A_1208 = tpu.iota {dimensions = array<i32: 0>} : vector<1000x1xi32>
    %convert_element_type3A = arith.fptosi %select_n3A_1207 : vector<1x2048xf32> to vector<1x2048xi32>
    %eq3A = vector.broadcast %convert_element_type3A : vector<1x2048xi32> to vector<1000x2048xi32>
    %eq3A_1209 = vector.broadcast %iota3A_1208 : vector<1000x1xi32> to vector<1000x2048xi32>
    %eq3A_1210 = arith.cmpi eq, %eq3A, %eq3A_1209 : vector<1000x2048xi32>
    %jit3A_1211 = arith.constant 1.000000e+00 : f32
    %jit3A_1212 = arith.constant 0.000000e+00 : f32
    %broadcast_in_dim3A_1213 = vector.broadcast %jit3A_1211 : f32 to vector<1000x2048xf32>
    %broadcast_in_dim3A_1214 = vector.broadcast %jit3A_1212 : f32 to vector<1000x2048xf32>
    %select_n3A_1215 = arith.select %eq3A_1210, %broadcast_in_dim3A_1213, %broadcast_in_dim3A_1214 : vector<1000x2048xi1>, vector<1000x2048xf32>
    %concatenate3A_1216 = tpu.concatenate %min3A_42, %min3A_48, %min3A_54, %min3A_60 in 0 : vector<1x2048xf32>, vector<1x2048xf32>, vector<1x2048xf32>, vector<1x2048xf32> -> vector<4x2048xf32>
    %dot_general3A = arith.constant dense<0.000000e+00> : vector<1000x4xf32>
    %dot_general3A_1217 = tpu.matmul %select_n3A_1215, %concatenate3A_1216, %dot_general3A {dimension_numbers = #tpu.dot_dimension_numbers<[1], [1], [0], [0], [0, 0, 1, 0], [], []>, transpose_lhs_hint = false} : vector<1000x2048xf32>, vector<4x2048xf32>, vector<1000x4xf32> -> vector<1000x4xf32>
    %swap3A_1218 = arith.constant 0 : index
    %swap3A_1219 = arith.constant 0 : index
    %swap3A_1220 = arith.constant 0 : index
    %swap3A_1221 = vector.load %arg6[%swap3A_1218, %swap3A_1219, %swap3A_1220] : memref<1x1000x4xf32, #tpu.memory_space<vmem>>, vector<1x1000x4xf32>
    %swap3A_1222 = vector.shape_cast %swap3A_1221 : vector<1x1000x4xf32> to vector<1000x4xf32>
    %swap3A_1223 = vector.shape_cast %dot_general3A_1217 : vector<1000x4xf32> to vector<1x1000x4xf32>
    tpu.vector_store %arg6[%swap3A_1218, %swap3A_1219, %swap3A_1220], %swap3A_1223 {strides = array<i32>} : memref<1x1000x4xf32, #tpu.memory_space<vmem>>, vector<1x1000x4xf32>,
    %dot_general3A_1224 = arith.constant dense<0.000000e+00> : vector<1000x1xf32>
    %dot_general3A_1225 = tpu.matmul %select_n3A_1215, %select_n3A_1079, %dot_general3A_1224 {dimension_numbers = #tpu.dot_dimension_numbers<[1], [1], [0], [0], [0, 0, 1, 0], [], []>, transpose_lhs_hint = false} : vector<1000x2048xf32>, vector<1x2048xf32>, vector<1000x1xf32> -> vector<1000x1xf32>
    %swap3A_1226 = arith.constant 0 : index
    %swap3A_1227 = arith.constant 0 : index
    %swap3A_1228 = arith.constant 0 : index
    %swap3A_1229 = vector.load %arg7[%swap3A_1226, %swap3A_1227, %swap3A_1228] : memref<1x1000x1xf32, #tpu.memory_space<vmem>>, vector<1x1000x1xf32>
    %swap3A_1230 = vector.shape_cast %swap3A_1229 : vector<1x1000x1xf32> to vector<1000x1xf32>
    %swap3A_1231 = vector.shape_cast %dot_general3A_1225 : vector<1000x1xf32> to vector<1x1000x1xf32>
    tpu.vector_store %arg7[%swap3A_1226, %swap3A_1227, %swap3A_1228], %swap3A_1231 {strides = array<i32>} : memref<1x1000x1xf32, #tpu.memory_space<vmem>>, vector<1x1000x1xf32>,
    return
  }
  func.func @transform_0(%arg0: i32) -> (i32, i32, i32) {
    %c0_i32 = arith.constant 0 : i32
    %c0_i32_0 = arith.constant 0 : i32
    %c0_i32_1 = arith.constant 0 : i32
    return %arg0, %c0_i32, %c0_i32_0 : i32, i32, i32
  }
  func.func @transform_1(%arg0: i32) -> (i32, i32, i32) {
    %c0_i32 = arith.constant 0 : i32
    %c0_i32_0 = arith.constant 0 : i32
    %c0_i32_1 = arith.constant 0 : i32
    return %arg0, %c0_i32, %c0_i32_0 : i32, i32, i32
  }
  func.func @transform_2(%arg0: i32) -> (i32, i32, i32) {
    %c0_i32 = arith.constant 0 : i32
    %c0_i32_0 = arith.constant 0 : i32
    %c0_i32_1 = arith.constant 0 : i32
    return %arg0, %c0_i32, %c0_i32_0 : i32, i32, i32
  }
  func.func @transform_3(%arg0: i32) -> (i32, i32, i32) {
    %c0_i32 = arith.constant 0 : i32
    %c0_i32_0 = arith.constant 0 : i32
    %c0_i32_1 = arith.constant 0 : i32
    return %arg0, %c0_i32, %c0_i32_0 : i32, i32, i32
  }
  func.func @transform_4(%arg0: i32) -> (i32, i32, i32) {
    %c0_i32 = arith.constant 0 : i32
    %c0_i32_0 = arith.constant 0 : i32
    %c0_i32_1 = arith.constant 0 : i32
    return %arg0, %c0_i32, %c0_i32_0 : i32, i32, i32
  }
  func.func @transform_5(%arg0: i32) -> (i32, i32, i32) {
    %c0_i32 = arith.constant 0 : i32
    %c0_i32_0 = arith.constant 0 : i32
    %c0_i32_1 = arith.constant 0 : i32
    return %arg0, %c0_i32, %c0_i32_0 : i32, i32, i32
  }
  func.func @transform_6(%arg0: i32) -> (i32, i32, i32) {
    %c0_i32 = arith.constant 0 : i32
    %c0_i32_0 = arith.constant 0 : i32
    %c0_i32_1 = arith.constant 0 : i32
    return %arg0, %c0_i32, %c0_i32_0 : i32, i32, i32
  }
}

</mosaic_0001>

<sc_bundles>
// kernel: gather_offload_async_start.1
scs
__scs_entry_jumppad:
0x0: {  	(pc) =	sbr.rel $0x88, $3  }
0x1: {  	(tag) =	ssettag $0x0;
	lr =	simm.s32 $0x1  }
0x2: {  	[smem:$0x3F9E] =	sst lr;
	_ =	strace $0xD0000000  }
0x3: {  	_ = 	snop  }
0x4: {  	_ = 	snop  }
0x5: {  	_ = 	snop  }
0x6: {  	_ = 	snop  }
0x7: {  	_ = 	snop  }
__scs_overlays_trampoline_lowered:
0x8: {  	[smem:$0x3FAD] =	sst s0  }
0x9: {  	[smem:$0x3FAE] =	sst s1  }
0xa: {  	[smem:$0x3FAF] =	sst s2  }
0xb: {  	[smem:$0x3FB0] =	sst s3  }
0xc: {  	[smem:$0x3FB1] =	sst s4  }
0xd: {  	[smem:$0x3FB2] =	sst s5  }
0xe: {  	[smem:$0x3FB3] =	sst s6  }
0xf: {  	[smem:$0x3FB4] =	sst s7  }
0x10: {  	[smem:$0x3FB5] =	sst s8  }
0x11: {  	[smem:$0x3FB6] =	sst s9;
	s0 =	simm.s32 @!p0 $0x0  }
0x12: {  	s1 =	sld [smem:$0x3F9C];
	s0 =	simm.s32 @p0 $0x1  }
0x13: {  	[smem:$0x3FB7] =	sst s0;
	s0 =	simm.s32 @!p1 $0x0  }
0x14: {  	s2 =	sld [smem:$0x3F9B];
	s0 =	simm.s32 @p1 $0x1  }
0x15: {  	[smem:$0x3FB8] =	sst s0;
	s0 =	simm.s32 @!p2 $0x0  }
0x16: {  	s3 =	sld [smem:$0x3FDB];
	s0 =	simm.s32 @p2 $0x1  }
0x17: {  	s4 =	simm.s32 $0x1BF5;
	[smem:$0x3FBA] =	sst s0  }
0x18: {  	s0 =	sld [smem:$0x3F9D];
	_ =	swait.ge [sflag:s4], $0x0  }
0x19: {  	s7 =	sld [smem:$0x3F9E]  }
0x1a: {  	s8 =	sadd.s32 $0xFFFFE003, lr  }
0x1b: {  	s9 =	sadd.s32 $0xFFFFFEF7, lr;
	s5 =	simm.s32 $0xFFFFFFFF;
	p2 =	slt.u32 s8, $0xFFFFF086  }
0x1c: {  	p1 =	slt.u32 s9, $0xF7A;
	s5 =	simm.s32 @!p2 $0x0  }
0x1d: {  	s5 =	simm.s32 @p1 $0x1;
	p0 =	seq.s32 s7, s2  }
0x1e: {  	s7 =	smul.u32 @!p0 $0xF7A, s2;
	p2 =	seq.s32 @!p0 s5, $0x0  }
0x1f: {  	s9 =	smul.u32 $0xF7A, s1;
	s8 =	simm.s32 @!p0 $0x1BF5;
	p2 =	por !p2, p0  }
0x20: {  	[sflag:s8] =	ssyncset.s32 @!p0 $0xFFFFF086;
	s6 =	sadd.s32 @!p0 s3, s7;
	s7 =	simm.s32 @!p0 $0x108  }
0x21: {  	s3 =	sadd.s32 s3, s9;
	s6 =	sadd.s32 @!p0 $0x88, s6;
	s7 =	simm.s32 @p2 $0x1082  }
0x22: {  	[simem:s7], [sflag:s8] =	dma.local @!p0 [hbm:s6], $0xF7A  }
0x23: {  	s9 =	sor.u32 $0xD0000000, s2;
	s6 =	simm.s32 $0x108;
	_ =	swait.ge @!p0 [sflag:s8], $0x0  }
0x24: {  	s3 =	sadd.s32 $0x88, s3;
	s6 =	simm.s32 @!p1 $0x1082;
	[sflag:s4] =	ssyncset.s32 $0xFFFFF086  }
0x25: {  	[simem:s6], [sflag:s4] =	dma.local [hbm:s3], $0xF7A  }
0x26: {  	[smem:$0x3F9E] =	sst s1;
	(tag) =	ssettag s2;
	_ =	strace s9  }
0x27: {  	s1 =	sld [smem:$0x3FAE]  }
0x28: {  	s2 =	sld [smem:$0x3FAF]  }
0x29: {  	s4 =	sld [smem:$0x3FB1]  }
0x2a: {  	p0 =	seq.s32 s5, $0x0;
	s5 =	sld [smem:$0x3FB2]  }
0x2b: {  	s6 =	sld [smem:$0x3FB3]  }
0x2c: {  	s7 =	sld [smem:$0x3FB4]  }
0x2d: {  	s3 =	simm.s32 $0x108;
	s8 =	sld [smem:$0x3FB5]  }
0x2e: {  	s3 =	simm.s32 @!p0 $0x1082;
	s9 =	sld [smem:$0x3FB6]  }
0x2f: {  	lr =	sadd.s32 s0, s3;
	s0 =	sld [smem:$0x3FAD]  }
0x30: {  	s3 =	sld [smem:$0x3FB0]  }
0x31: {  	[smem:$0x3FB9] =	sst s10  }
0x32: {  	s10 =	sld [smem:$0x3FB7];
	_ =	sdelay $0x3  }
0x33: {  	p0 =	seq.s32 s10, $0x1;
	s10 =	sld [smem:$0x3FB9];
	_ =	sdelay $0x3  }
0x34: {  	[smem:$0x3FB9] =	sst s10  }
0x35: {  	s10 =	sld [smem:$0x3FB8];
	_ =	sdelay $0x3  }
0x36: {  	p1 =	seq.s32 s10, $0x1;
	s10 =	sld [smem:$0x3FB9];
	_ =	sdelay $0x3  }
0x37: {  	[smem:$0x3FB9] =	sst s10  }
0x38: {  	s10 =	sld [smem:$0x3FBA]  }
0x39: {  	_ = 	snop;
	(pc) =	sbr.ind lr, $3  }
0x3a: {  	_ = 	snop  }
0x3b: {  	_ = 	snop  }
0x3c: {  	p2 =	seq.s32 s10, $0x1;
	s10 =	sld [smem:$0x3FB9]  }
0x3d: {  	_ =	shalt  }
0x3e: {  	_ =	shalt  }
0x3f: {  	_ =	shalt  }
0x40: {  	_ =	shalt  }
0x41: {  	_ =	shalt  }
0x42: {  	_ =	shalt  }
0x43: {  	_ =	shalt  }
0x44: {  	_ =	shalt  }
0x45: {  	_ =	shalt  }
0x46: {  	_ =	shalt  }
0x47: {  	_ =	shalt  }
0x48: {  	_ =	shalt  }
0x49: {  	_ =	shalt  }
0x4a: {  	_ =	shalt  }
0x4b: {  	_ =	shalt  }
0x4c: {  	_ =	shalt  }
0x4d: {  	_ =	shalt  }
0x4e: {  	_ =	shalt  }
0x4f: {  	_ =	shalt  }
0x50: {  	_ =	shalt  }
0x51: {  	_ =	shalt  }
0x52: {  	_ =	shalt  }
0x53: {  	_ =	shalt  }
0x54: {  	_ =	shalt  }
0x55: {  	_ =	shalt  }
0x56: {  	_ =	shalt  }
0x57: {  	_ =	shalt  }
0x58: {  	_ =	shalt  }
0x59: {  	_ =	shalt  }
0x5a: {  	_ =	shalt  }
0x5b: {  	_ =	shalt  }
0x5c: {  	_ =	shalt  }
0x5d: {  	_ =	shalt  }
0x5e: {  	_ =	shalt  }
0x5f: {  	_ =	shalt  }
0x60: {  	_ =	shalt  }
0x61: {  	_ =	shalt  }
0x62: {  	_ =	shalt  }
0x63: {  	_ =	shalt  }
0x64: {  	_ =	shalt  }
0x65: {  	_ =	shalt  }
0x66: {  	_ =	shalt  }
0x67: {  	_ =	shalt  }
0x68: {  	_ =	shalt  }
0x69: {  	_ =	shalt  }
0x6a: {  	_ =	shalt  }
0x6b: {  	_ =	shalt  }
0x6c: {  	_ =	shalt  }
0x6d: {  	_ =	shalt  }
0x6e: {  	_ =	shalt  }
0x6f: {  	_ =	shalt  }
0x70: {  	_ =	shalt  }
0x71: {  	_ =	shalt  }
0x72: {  	_ =	shalt  }
0x73: {  	_ =	shalt  }
0x74: {  	_ =	shalt  }
0x75: {  	_ =	shalt  }
0x76: {  	_ =	shalt  }
0x77: {  	_ =	shalt  }
0x78: {  	_ =	shalt  }
0x79: {  	_ =	shalt  }
0x7a: {  	_ =	shalt  }
0x7b: {  	_ =	shalt  }
0x7c: {  	_ =	shalt  }
0x7d: {  	_ =	shalt  }
0x7e: {  	_ =	shalt  }
0x7f: {  	_ =	shalt  }
0x80: {  	_ =	shalt  }
0x81: {  	_ =	shalt  }
0x82: {  	_ =	shalt  }
0x83: {  	_ =	shalt  }
0x84: {  	_ =	shalt  }
0x85: {  	_ =	shalt  }
0x86: {  	_ =	shalt  }
0x87: {  	_ =	shalt  }
.Lfunc_end0:
.L_simem_size_0:
called_computation.1_lowered:
.L_overlay_start_0:
0x88: {  	s2 =	sld [smem:$0x3FD9]  }
0x89: {  	s3 =	sld [smem:$0x3FFE];
	_ =	sdelay $0x1  }
0x8a: {  	s1 =	srdreg.scid  }
0x8b: {  	s0 =	sand.u32 $0x1, s1  }
0x8c: {  	s17 =	sshll.u32 s0, $0xA;
	s2 =	sadd.s32 s3, s2  }
0x8d: {  	s2 =	sadd.s32 s2, s17  }
0x8e: {  	[smem:$0x3FC5] =	sst s2  }
0x8f: {  	_ = 	snop  }
0x90: {  	s18 =	sld [smem:$0x3FD0];
	(tm) =	ssettm $0x1  }
0x91: {  	s19 =	sld [smem:$0x3FFB];
	_ =	sdelay $0x3  }
0x92: {  	_ =	strace s19  }
0x93: {  	s2 =	sld [smem:$0x3FFC];
	_ =	sdelay $0x3  }
0x94: {  	_ =	strace s2  }
0x95: {  	s2 =	sld [smem:$0x3FFD];
	_ =	sdelay $0x3  }
0x96: {  	_ =	strace s2  }
0x97: {  	_ =	strace $0x8FFFFFFF  }
0x98: {  	s20 =	sld [smem:$0x3FDB];
	_ =	sdelay $0x1  }
0x99: {  	s4 =	simm.s32 $_scs_section_size  }
0x9a: {  	s5 =	simm.s32 $_size__tile_overlayer_lowered;
	s6 =	simm.s32 $_tile_overlayer_lowered  }
0x9b: {  	s7 =	simm.s32 $0x1BFF;
	s21 =	sshll.u32 s6, $0x1;
	s4 =	sadd.s32 s4, s20  }
0x9c: {  	s22 =	simm.s32 $0x0;
	s5 =	sshll.u32 s5, $0x1;
	s6 =	sadd.s32 s21, s4  }
0x9d: {  	[timem:s22], [sflag:s7] =	dma.local [hbm:s6], s5  }
0x9e: {  	_ =	swait.ge [sflag:s7], s5  }
0x9f: {  	s5 =	ssub.s32 $0x0, s5;
	[sflag:s7] =	ssyncset.done $0x0  }
0xa0: {  	[sflag:s7] =	ssyncadd.s32 s5;
	_ =	sdelay $0x1  }
0xa1: {  	s23 =	simm.s32 $0x1B8B  }
0xa2: {  	_ =	swait.ge [sflag:s23], $0x1  }
0xa3: {  	[sflag:s23] =	ssyncset.done $0x0  }
0xa4: {  	[sflag:s23] =	ssyncadd.s32 $0xFFFFFFFF  }
0xa5: {  	s5 =	sld [smem:$0x0]  }
0xa6: {  	s6 =	sand.u32 $0xFFFFFFFE, s1  }
0xa7: {  	p0 =	sne.s32 s1, s6  }
0xa8: {  	s6 =	sshll.u32 @p0 s6, $0xE  }
0xa9: {  	s6 =	sadd.s32 @p0 $0x11B8D, s6;
	s7 =	sshll.u32 @p0 s5, $0x11  }
0xaa: {  	s6 =	sor.u32 @p0 s7, s6  }
0xab: {  	[sflag:s6] =	ssyncadd.remote.s32 @p0 $0x1;
	_ =	sdelay $0x1  }
0xac: {  	s6 =	simm.s32 @p0 $0x1B8D  }
0xad: {  	_ =	swait.eq @p0 [sflag:s6], $0x1  }
0xae: {  	[sflag:s6] =	ssyncadd.s32 @p0 $0xFFFFFFFF  }
0xaf: {  	s7 =	sshll.u32 @!p0 s1, $0xE  }
0xb0: {  	s7 =	sor.u32 @!p0 $0x4000, s7;
	s6 =	simm.s32 @!p0 $0x1B8D  }
0xb1: {  	s5 =	sshll.u32 @!p0 s5, $0x11;
	s7 =	sadd.s32 @!p0 $0x11B8D, s7;
	_ =	swait.eq @!p0 [sflag:s6], $0x1  }
0xb2: {  	s5 =	sor.u32 @!p0 s5, s7;
	[sflag:s6] =	ssyncadd.s32 @!p0 $0xFFFFFFFF  }
0xb3: {  	s25 =	simm.s32 $0x1B8E;
	s24 =	sld [smem:$0x3FFE];
	[sflag:s5] =	ssyncadd.remote.s32 @!p0 $0x1  }
0xb4: {  	s26 =	simm.s32 $execute0_lowered;
	[smem:$0x3FD2] =	sst s25  }
0xb5: {  	s6 =	sshll.u32 s26, $0x1;
	_ =	strace $0x80000049;
	[dreg:$0x1] =	wrdreg $0xFFFFFFFF  }
0xb6: {  	s28 =	simm.s32 $_size_execute0_lowered;
	s4 =	sadd.s32 s4, s6;
	[dreg:$0x0] =	wrdreg $0x0  }
0xb7: {  	s6 =	sshll.u32 s28, $0x1;
	[dreg:$0x2] =	wrdreg s4  }
0xb8: {  	[dreg:$0x3] =	wrdreg s6  }
0xb9: {  	[dreg:$0x4] =	wrdreg $0xC0  }
0xba: {  	_ =	task [dreg:s22], $0x5FFFF  }
0xbb: {  	[dreg:$0x1] =	wrdreg $0xFFFFFFFF  }
0xbc: {  	[dreg:$0x0] =	wrdreg $0x60  }
0xbd: {  	[dreg:$0x2] =	wrdreg s24  }
0xbe: {  	[dreg:$0x3] =	wrdreg s18  }
0xbf: {  	[dreg:$0x4] =	wrdreg $0xA  }
0xc0: {  	_ =	task.clear_ibuf [dreg:s22], $0x5FFFF;
	_ =	strace $0x90000049  }
0xc1: {  	s29 =	simm.s32 $0xA;
	_ =	strace $0x8000004B  }
0xc2: {  	_ =	swait.ge [sflag:s29], $0x1  }
0xc3: {  	[sflag:s29] =	ssyncadd.s32 $0xFFFFFFFF  }
0xc4: {  	_ =	strace $0x9000004B  }
0xc5: {  	_ =	sfence  }
0xc6: {  	s30 =	sld [smem:$0x0];
	_ =	sdelay $0x2  }
0xc7: {  	s31 =	sshll.u32 s1, $0xD;
	s1 =	sshrl.u32 s1, $0x2  }
0xc8: {  	s4 =	sand.u32 $0x4000, s31;
	s1 =	sadd.s32 s1, s30  }
0xc9: {  	s0 =	sor.u32 s4, s0;
	s1 =	sshll.u32 s1, $0x11  }
0xca: {  	s0 =	sor.u32 s1, s0  }
0xcb: {  	s0 =	sadd.s32 $0x8F2B, s0  }
0xcc: {  	[sflag:s0] =	ssyncadd.remote.s32 $0x1  }
0xcd: {  	_ =	sfence.sel $0xFFFF  }
0xce: {  	[dreg:$0x0] =	wrdreg $0xFFFFFFFF;
	(pc) =	sbr.abs _section_cstart, $3  }
0xcf: {  	[dreg:$0x1] =	wrdreg $0xFFFFFFFF  }
0xd0: {  	_ =	task.clear_ibuf [dreg:s22], $0x2FFFF;
	_ =	strace $0x9FFFFFFF  }
0xd1: {  	(tm) =	ssettm $0x7FFFFFFF  }
tec
execute0_lowered:
.L_overlay_start_1:
0x0: {  	(tag) =	ssettag $0x1  }
0x1: {  	s0 =	srdreg.scid  }
0x2: {  	s1 =	sshll.u32 s0, $0x4  }
0x3: {  	s0 =	stileid.u32;
	s1 =	sand.u32 $0x10, s1  }
0x4: {  	s2 =	sor.u32 s0, s1  }
0x5: {  	s1 =	smin.u32 s2, $0x12  }
0x6: {  	s1 =	sadd.s32 s2, s1  }
0x7: {  	p0 =	slt.u32 s2, $0x12;
	s2 =	simm.s32 $0xA0;
	s1 =	smul.u32 $0x50, s1  }
0x8: {  	s2 =	simm.s32 @!p0 $0x50  }
0x9: {  	s2 =	sadd.s32 s2, s1  }
0xa: {  	s3 =	smin.u32 s2, $0xFA0  }
0xb: {  	s7 =	ssub.s32 s3, s1  }
0xc: {  	p0 =	sgt.s32 s7, $0x0  }
0xd: {  	s7 =	simm.s32 @!p0 $0x0  }
0xe: {  	s9 =	rddreg [dreg:$0x0];
	s31 =	smul.u32 $0xCCCD, s7  }
0xf: {  	s4 =	rddreg [dreg:$0x1];
	s6 =	simm.s32 $0x1  }
0x10: {  	s11 =	simm.s32 $0x3;
	s13 =	simm.s32 $0x0;
	s8 =	sshrl.u32 s31, $0x16  }
0x11: {  	s12 =	simm.s32 $0x0;
	s5 =	sadd.s32 $0x5DE00, s9;
	s10 =	smul.u32 $0x50, s8  }
.Ltmp0:
0x12: {  	s9 =	sadd.s32 $0xFA200, s9;
	s2 =	rddreg [dreg:$0x2];
	(pc) =	sbr.rel .LBB2_1-.Ltmp0, $4  }
0x13: {  	_ =	strace $0x8000004A;
	p0 =	sne.s32 s7, s10;
	s10 =	simm.s32 $0x1  }
0x14: {  	[sflag:s6] =	ssyncpa.u1 $0x0;
	s7 =	simm.s32 $0x2;
	s10 =	simm.s32 @!p0 $0x0  }
0x15: {  	[sflag:s7] =	ssyncpa.u1 $0x0;
	p0 =	por $0x0, $0x0;
	s8 =	sadd.s32 s8, s10  }
0x16: {  	v0 =	vimm.s32 $0x0;
	vm0 =	vmmov $0xff;
	vm1 =	vcmask $0x3F20;
	[sflag:s11] =	ssyncpa.u1 $0x0;
	s11 =	smov.u32 s1;
	s10 =	sadd.s32 $0x1, s8  }
.LBB2_6:
0x17: {  	[hbm:s17] =	stream.linear.scatter [tilespmem:s14], [sflag:$0x3], $0x400, $0x38;
	[tilespmem:$0x50A0] =	vst v63  }
.LBB2_7:
0x18: {  	s13 =	sadd.s32 $0x50, s11  }
0x19: {  	s15 =	smov.u32 s1;
	p2 =	slt.s32 s13, s3  }
0x1a: {  	s15 =	smov.u32 @p2 s13;
	p2 =	sne.s32 s12, s10  }
.Ltmp1:
0x1b: {  	p1 =	slt.u32 s12, $0x2;
	(pc) =	sbr.rel @!p2 .LBB2_8-.Ltmp1, $4  }
0x1c: {  	s14 =	simm.s32 @!p1 $0x3  }
0x1d: {  	s16 =	sadd.s32 $0x1, s12;
	_ =	swait.ge @!p1 [sflag:s14], $0x2800  }
0x1e: {  	p0 =	por !p0, !p0;
	s13 =	smov.u32 s11;
	[sflag:s14] =	ssyncset.done @!p1 $0x0  }
0x1f: {  	s12 =	smov.u32 s16;
	s11 =	smov.u32 s15;
	[sflag:s14] =	ssyncadd.s32 @!p1 $0xFFFFD800  }
.LBB2_1:
0x20: {  	p1 =	sge.u32 s12, s8  }
0x21: {  	s14 =	sxor.u32 @!p1 $0xFFFFFFFF, s12  }
0x22: {  	s14 =	sand.u32 @!p1 $0x1, s14  }
0x23: {  	s14 =	smul.u32 @!p1 $0x140, s14  }
0x24: {  	s31 =	sadd.s32 $0xFFFFFFFF, s12;
	s15 =	sshrl.u32 @!p1 s11, $0x3  }
0x25: {  	s16 =	sand.u32 @!p1 $0x7, s11;
	s15 =	sadd.s32 @!p1 s4, s15;
	s14 =	sshrl.u32 @!p1 s14, $0x2  }
0x26: {  	[tilespmem:s14], [sflag:$0x2] =	stream.linear.gather @!p1 [hbm4b:s15+s16], $0x50, $0x38;
	[tilespmem:$0x50A0] =	vst v63  }
0x27: {  	p1 =	sge.u32 s31, s8  }
.Ltmp2:
0x28: {  	_ = 	snop;
	(pc) =	sbr.rel @p1 .LBB2_7-.Ltmp2, $1  }
0x29: {  	_ =	sdelay $0x3  }
0x2a: {  	s14 =	simm.s32 $0x1  }
0x2b: {  	s14 =	simm.s32 @!p0 $0x0  }
0x2c: {  	s15 =	smul.u32 $0x140, s14  }
0x2d: {  	_ =	swait.ge [sflag:s7], $0x50  }
0x2e: {  	[sflag:s7] =	ssyncset.done $0x0;
	s16 =	sshrl.u32 s15, $0x2  }
0x2f: {  	[sflag:s7] =	ssyncadd.s32 $0xFFFFFFB0;
	s15 =	sadd.s32 $0x0, s16  }
0x30: {  	v1 =	vld.msk [tilespmem:s15+$0x0 ss:$0x1], $0xffff;
	_ =	sdelay $0x4  }
0x31: {  	v2 =	vand.u32 $0x1, v1;
	v3 =	vshll.u32 v1, $0x6  }
0x32: {  	vm2 =	veq.s32 v1, $0x80000000;
	vm3 =	veq.s32 v2, $0x1;
	v1 =	vand.u32 $0x3FFF80, v3  }
0x33: {  	v2 =	vsel vm3, $0x271000, v0;
	v1 =	vsel vm2, $0xFFFFFF80, v1  }
0x34: {  	v2 =	vsel vm2, $0xFFD8F000, v2;
	v3 =	vand.u32 $0xFFFFFC00, v1  }
0x35: {  	v1 =	vand.u32 $0x380, v1;
	v2 =	vadd.s32 v2, v3  }
0x36: {  	v1 =	vor.u32 v1, v2  }
0x37: {  	v1 =	vshrl.u32 v1, $0x3  }
0x38: {  	s14 =	smul.u32 $0xA000, s14;
	_ =	sdelay $0x1  }
0x39: {  	s14 =	sshrl.u32 s14, $0x2  }
0x3a: {  	s14 =	sor.u32 $0xA0, s14  }
0x3b: {  	[tilespmem:s14], [sflag:$0x1] =	stream.indirect_vreg.gather [hbm:s5], $0x80, v1, vm0, $0x38;
	[tilespmem:$0x50A0] =	vst v63  }
0x3c: {  	s17 =	sadd.s32 $0x10, s16;
	s15 =	sadd.s32 $0x400, s14  }
0x3d: {  	[tilespmem:s15], [sflag:$0x1] =	stream.indirect_vreg.gather [hbm:s5], $0x80, v1, vm1, $0x38;
	[tilespmem:$0x50A0] =	vst v63  }
0x3e: {  	s18 =	simm.s32 $0x80;
	v1 =	vld.msk [tilespmem:s17+$0x0 ss:$0x1], $0xffff;
	s17 =	smov.u32 s14  }
.LBB2_3:
0x3f: {  	p1 =	sne.s32 s18, $0x100;
	_ =	sdelay $0x4  }
0x40: {  	v2 =	vand.u32 $0x1, v1;
	v3 =	vshll.u32 v1, $0x6  }
0x41: {  	vm2 =	veq.s32 v1, $0x80000000;
	vm3 =	veq.s32 v2, $0x1;
	v1 =	vand.u32 $0x3FFF80, v3  }
0x42: {  	v2 =	vsel vm3, $0x271000, v0;
	v1 =	vsel vm2, $0xFFFFFF80, v1  }
0x43: {  	v2 =	vsel vm2, $0xFFD8F000, v2;
	v3 =	vand.u32 $0xFFFFFC00, v1  }
0x44: {  	v1 =	vand.u32 $0x380, v1;
	v2 =	vadd.s32 v2, v3  }
0x45: {  	v1 =	vor.u32 v1, v2  }
0x46: {  	v1 =	vshrl.u32 v1, $0x3;
	_ =	sdelay $0x3  }
.Ltmp3:
0x47: {  	s19 =	sshra.s32 s18, $0x2;
	s17 =	sadd.s32 $0x800, s17;
	(pc) =	sbr.rel @p1 .LBB2_3-.Ltmp3, $4  }
0x48: {  	[tilespmem:s17], [sflag:$0x1] =	stream.indirect_vreg.gather [hbm:s5], $0x80, v1, vm0, $0x38;
	[tilespmem:$0x50A0] =	vst v63  }
0x49: {  	s19 =	sadd.s32 s19, s16;
	s20 =	sadd.s32 $0x400, s17  }
0x4a: {  	[tilespmem:s20], [sflag:$0x1] =	stream.indirect_vreg.gather [hbm:s5], $0x80, v1, vm1, $0x38;
	[tilespmem:$0x50A0] =	vst v63  }
0x4b: {  	s18 =	sadd.s32 $0x40, s18;
	v1 =	vld.msk [tilespmem:s19+$0x0 ss:$0x1], $0xffff  }
0x4c: {  	_ =	sdelay $0x3  }
0x4d: {  	v2 =	vand.u32 $0x1, v1;
	v3 =	vshll.u32 v1, $0x6  }
0x4e: {  	vm2 =	veq.s32 v1, $0x80000000;
	vm3 =	veq.s32 v2, $0x1;
	v1 =	vand.u32 $0x3FFF80, v3  }
0x4f: {  	v2 =	vsel vm3, $0x271000, v0;
	v1 =	vsel vm2, $0xFFFFFF80, v1  }
0x50: {  	v2 =	vsel vm2, $0xFFD8F000, v2;
	v3 =	vand.u32 $0xFFFFFC00, v1  }
0x51: {  	v1 =	vand.u32 $0x380, v1;
	v2 =	vadd.s32 v2, v3  }
0x52: {  	v1 =	vor.u32 v1, v2  }
0x53: {  	v1 =	vshrl.u32 v1, $0x3;
	_ =	sdelay $0x3  }
0x54: {  	s16 =	sadd.s32 $0x800, s17  }
0x55: {  	[tilespmem:s16], [sflag:$0x1] =	stream.indirect_vreg.gather [hbm:s5], $0x80, v1, vm0, $0x38;
	[tilespmem:$0x50A0] =	vst v63  }
0x56: {  	s16 =	sadd.s32 $0x400, s16  }
0x57: {  	[tilespmem:s16], [sflag:$0x1] =	stream.indirect_vreg.gather [hbm:s5], $0x80, v1, vm1, $0x38;
	[tilespmem:$0x50A0] =	vst v63  }
0x58: {  	s13 =	sshll.u32 s13, $0x4;
	_ =	swait.ge [sflag:s6], $0x2800  }
0x59: {  	s13 =	sadd.s32 s13, s9;
	[sflag:s6] =	ssyncset.done $0x0  }
0x5a: {  	s17 =	sadd.s32 $0x0, s13;
	s16 =	simm.s32 $0x80;
	[sflag:s6] =	ssyncadd.s32 $0xFFFFD800  }
.LBB2_5:
0x5b: {  	[hbm:s17] =	stream.linear.scatter [tilespmem:s14], [sflag:$0x3], $0x400, $0x38;
	[tilespmem:$0x50A0] =	vst v63  }
0x5c: {  	s17 =	smov.u32 s16;
	s14 =	smov.u32 s15;
	p1 =	sne.s32 s16, $0x480  }
.Ltmp4:
0x5d: {  	s16 =	sadd.s32 $0x80, s16;
	(pc) =	sbr.rel @p1 .LBB2_5-.Ltmp4, $2  }
0x5e: {  	_ =	sdelay $0x2  }
0x5f: {  	s15 =	sadd.s32 $0x400, s15;
	s17 =	sadd.s32 s17, s13  }
.Ltmp5:
0x60: {  	_ = 	snop;
	(pc) =	sbr.rel .LBB2_6-.Ltmp5, $1  }
0x61: {  	_ =	sdelay $0x3  }
.LBB2_8:
0x62: {  	_ =	sfence.sel $0x180000  }
0x63: {  	s1 =	simm.s32 $0x2;
	[bflag:$0x0] =	sbarrier.arrive $0xFFFF  }
0x64: {  	s30 =	simm.s32 $0x3;
	[sflag:s1] =	ssyncpa.u1 $0x1  }
0x65: {  	s31 =	simm.s32 $0x1;
	[sflag:s30] =	ssyncpa.u1 $0x1  }
0x66: {  	[sflag:s31] =	ssyncpa.u1 $0x1  }
0x67: {  	p0 =	sne.s32 s0, $0x0;
	_ =	strace $0x9000004A  }
0x68: {  	s0 =	sadd.s32 @!p0 $0x100000, s2;
	[bflag:$0x2] =	sbarrier.arrive $0xFFFF  }
0x69: {  	[sflag:s0] =	ssyncadd.tile.s32 @!p0 $0x1;
	_ =	shalt  }
.Lfunc_end2:
_tile_overlayer_lowered:
.L_overlay_start_2:
0x6a: {  	(tag) =	ssettag $0x2  }
0x6b: {  	s0 =	rddreg [dreg:$0x0];
	s2 =	stileid.u32  }
0x6c: {  	s1 =	rddreg [dreg:$0x1];
	p0 =	sne.s32 s2, $0x0  }
0x6d: {  	s3 =	rddreg [dreg:$0x2];
	[bflag:$0x3] =	sbarrier.arrive $0xFFFF;
	s2 =	simm.s32 @!p0 $0x1C01  }
0x6e: {  	[timem:s3], [sflag:s2] =	dma.local @!p0 [hbm:s0], s1  }
0x6f: {  	s0 =	simm.s32 @!p0 $0x1  }
0x70: {  	_ =	swait.ge @!p0 [sflag:s0], s1  }
0x71: {  	s1 =	ssub.s32 @!p0 $0x0, s1;
	[sflag:s0] =	ssyncset.done @!p0 $0x0  }
0x72: {  	[sflag:s0] =	ssyncadd.s32 @!p0 s1  }
0x73: {  	[bflag:$0x3] =	sbarrier.arrive $0xFFFF  }
0x74: {  	_ =	shalt  }

// kernel: gather_offload_async_start
scs
__scs_entry_jumppad:
0x0: {  	(pc) =	sbr.rel $0x88, $3  }
0x1: {  	(tag) =	ssettag $0x0;
	lr =	simm.s32 $0x1  }
0x2: {  	[smem:$0x3F9E] =	sst lr;
	_ =	strace $0xD0000000  }
0x3: {  	_ = 	snop  }
0x4: {  	_ = 	snop  }
0x5: {  	_ = 	snop  }
0x6: {  	_ = 	snop  }
0x7: {  	_ = 	snop  }
__scs_overlays_trampoline_lowered:
0x8: {  	[smem:$0x3FAD] =	sst s0  }
0x9: {  	[smem:$0x3FAE] =	sst s1  }
0xa: {  	[smem:$0x3FAF] =	sst s2  }
0xb: {  	[smem:$0x3FB0] =	sst s3  }
0xc: {  	[smem:$0x3FB1] =	sst s4  }
0xd: {  	[smem:$0x3FB2] =	sst s5  }
0xe: {  	[smem:$0x3FB3] =	sst s6  }
0xf: {  	[smem:$0x3FB4] =	sst s7  }
0x10: {  	[smem:$0x3FB5] =	sst s8  }
0x11: {  	[smem:$0x3FB6] =	sst s9;
	s0 =	simm.s32 @!p0 $0x0  }
0x12: {  	s1 =	sld [smem:$0x3F9C];
	s0 =	simm.s32 @p0 $0x1  }
0x13: {  	[smem:$0x3FB7] =	sst s0;
	s0 =	simm.s32 @!p1 $0x0  }
0x14: {  	s2 =	sld [smem:$0x3F9B];
	s0 =	simm.s32 @p1 $0x1  }
0x15: {  	[smem:$0x3FB8] =	sst s0;
	s0 =	simm.s32 @!p2 $0x0  }
0x16: {  	s3 =	sld [smem:$0x3FDB];
	s0 =	simm.s32 @p2 $0x1  }
0x17: {  	s4 =	simm.s32 $0x1BF5;
	[smem:$0x3FBA] =	sst s0  }
0x18: {  	s0 =	sld [smem:$0x3F9D];
	_ =	swait.ge [sflag:s4], $0x0  }
0x19: {  	s7 =	sld [smem:$0x3F9E]  }
0x1a: {  	s8 =	sadd.s32 $0xFFFFE003, lr  }
0x1b: {  	s9 =	sadd.s32 $0xFFFFFEF7, lr;
	s5 =	simm.s32 $0xFFFFFFFF;
	p2 =	slt.u32 s8, $0xFFFFF086  }
0x1c: {  	p1 =	slt.u32 s9, $0xF7A;
	s5 =	simm.s32 @!p2 $0x0  }
0x1d: {  	s5 =	simm.s32 @p1 $0x1;
	p0 =	seq.s32 s7, s2  }
0x1e: {  	s7 =	smul.u32 @!p0 $0xF7A, s2;
	p2 =	seq.s32 @!p0 s5, $0x0  }
0x1f: {  	s9 =	smul.u32 $0xF7A, s1;
	s8 =	simm.s32 @!p0 $0x1BF5;
	p2 =	por !p2, p0  }
0x20: {  	[sflag:s8] =	ssyncset.s32 @!p0 $0xFFFFF086;
	s6 =	sadd.s32 @!p0 s3, s7;
	s7 =	simm.s32 @!p0 $0x108  }
0x21: {  	s3 =	sadd.s32 s3, s9;
	s6 =	sadd.s32 @!p0 $0x88, s6;
	s7 =	simm.s32 @p2 $0x1082  }
0x22: {  	[simem:s7], [sflag:s8] =	dma.local @!p0 [hbm:s6], $0xF7A  }
0x23: {  	s9 =	sor.u32 $0xD0000000, s2;
	s6 =	simm.s32 $0x108;
	_ =	swait.ge @!p0 [sflag:s8], $0x0  }
0x24: {  	s3 =	sadd.s32 $0x88, s3;
	s6 =	simm.s32 @!p1 $0x1082;
	[sflag:s4] =	ssyncset.s32 $0xFFFFF086  }
0x25: {  	[simem:s6], [sflag:s4] =	dma.local [hbm:s3], $0xF7A  }
0x26: {  	[smem:$0x3F9E] =	sst s1;
	(tag) =	ssettag s2;
	_ =	strace s9  }
0x27: {  	s1 =	sld [smem:$0x3FAE]  }
0x28: {  	s2 =	sld [smem:$0x3FAF]  }
0x29: {  	s4 =	sld [smem:$0x3FB1]  }
0x2a: {  	p0 =	seq.s32 s5, $0x0;
	s5 =	sld [smem:$0x3FB2]  }
0x2b: {  	s6 =	sld [smem:$0x3FB3]  }
0x2c: {  	s7 =	sld [smem:$0x3FB4]  }
0x2d: {  	s3 =	simm.s32 $0x108;
	s8 =	sld [smem:$0x3FB5]  }
0x2e: {  	s3 =	simm.s32 @!p0 $0x1082;
	s9 =	sld [smem:$0x3FB6]  }
0x2f: {  	lr =	sadd.s32 s0, s3;
	s0 =	sld [smem:$0x3FAD]  }
0x30: {  	s3 =	sld [smem:$0x3FB0]  }
0x31: {  	[smem:$0x3FB9] =	sst s10  }
0x32: {  	s10 =	sld [smem:$0x3FB7];
	_ =	sdelay $0x3  }
0x33: {  	p0 =	seq.s32 s10, $0x1;
	s10 =	sld [smem:$0x3FB9];
	_ =	sdelay $0x3  }
0x34: {  	[smem:$0x3FB9] =	sst s10  }
0x35: {  	s10 =	sld [smem:$0x3FB8];
	_ =	sdelay $0x3  }
0x36: {  	p1 =	seq.s32 s10, $0x1;
	s10 =	sld [smem:$0x3FB9];
	_ =	sdelay $0x3  }
0x37: {  	[smem:$0x3FB9] =	sst s10  }
0x38: {  	s10 =	sld [smem:$0x3FBA]  }
0x39: {  	_ = 	snop;
	(pc) =	sbr.ind lr, $3  }
0x3a: {  	_ = 	snop  }
0x3b: {  	_ = 	snop  }
0x3c: {  	p2 =	seq.s32 s10, $0x1;
	s10 =	sld [smem:$0x3FB9]  }
0x3d: {  	_ =	shalt  }
0x3e: {  	_ =	shalt  }
0x3f: {  	_ =	shalt  }
0x40: {  	_ =	shalt  }
0x41: {  	_ =	shalt  }
0x42: {  	_ =	shalt  }
0x43: {  	_ =	shalt  }
0x44: {  	_ =	shalt  }
0x45: {  	_ =	shalt  }
0x46: {  	_ =	shalt  }
0x47: {  	_ =	shalt  }
0x48: {  	_ =	shalt  }
0x49: {  	_ =	shalt  }
0x4a: {  	_ =	shalt  }
0x4b: {  	_ =	shalt  }
0x4c: {  	_ =	shalt  }
0x4d: {  	_ =	shalt  }
0x4e: {  	_ =	shalt  }
0x4f: {  	_ =	shalt  }
0x50: {  	_ =	shalt  }
0x51: {  	_ =	shalt  }
0x52: {  	_ =	shalt  }
0x53: {  	_ =	shalt  }
0x54: {  	_ =	shalt  }
0x55: {  	_ =	shalt  }
0x56: {  	_ =	shalt  }
0x57: {  	_ =	shalt  }
0x58: {  	_ =	shalt  }
0x59: {  	_ =	shalt  }
0x5a: {  	_ =	shalt  }
0x5b: {  	_ =	shalt  }
0x5c: {  	_ =	shalt  }
0x5d: {  	_ =	shalt  }
0x5e: {  	_ =	shalt  }
0x5f: {  	_ =	shalt  }
0x60: {  	_ =	shalt  }
0x61: {  	_ =	shalt  }
0x62: {  	_ =	shalt  }
0x63: {  	_ =	shalt  }
0x64: {  	_ =	shalt  }
0x65: {  	_ =	shalt  }
0x66: {  	_ =	shalt  }
0x67: {  	_ =	shalt  }
0x68: {  	_ =	shalt  }
0x69: {  	_ =	shalt  }
0x6a: {  	_ =	shalt  }
0x6b: {  	_ =	shalt  }
0x6c: {  	_ =	shalt  }
0x6d: {  	_ =	shalt  }
0x6e: {  	_ =	shalt  }
0x6f: {  	_ =	shalt  }
0x70: {  	_ =	shalt  }
0x71: {  	_ =	shalt  }
0x72: {  	_ =	shalt  }
0x73: {  	_ =	shalt  }
0x74: {  	_ =	shalt  }
0x75: {  	_ =	shalt  }
0x76: {  	_ =	shalt  }
0x77: {  	_ =	shalt  }
0x78: {  	_ =	shalt  }
0x79: {  	_ =	shalt  }
0x7a: {  	_ =	shalt  }
0x7b: {  	_ =	shalt  }
0x7c: {  	_ =	shalt  }
0x7d: {  	_ =	shalt  }
0x7e: {  	_ =	shalt  }
0x7f: {  	_ =	shalt  }
0x80: {  	_ =	shalt  }
0x81: {  	_ =	shalt  }
0x82: {  	_ =	shalt  }
0x83: {  	_ =	shalt  }
0x84: {  	_ =	shalt  }
0x85: {  	_ =	shalt  }
0x86: {  	_ =	shalt  }
0x87: {  	_ =	shalt  }
.Lfunc_end0:
.L_simem_size_0:
called_computation_lowered:
.L_overlay_start_0:
0x88: {  	s2 =	sld [smem:$0x3FD9]  }
0x89: {  	s3 =	sld [smem:$0x3FFE];
	_ =	sdelay $0x1  }
0x8a: {  	s1 =	srdreg.scid  }
0x8b: {  	s0 =	sand.u32 $0x1, s1  }
0x8c: {  	s16 =	sshll.u32 s0, $0xA;
	s2 =	sadd.s32 s3, s2  }
0x8d: {  	s2 =	sadd.s32 s2, s16  }
0x8e: {  	[smem:$0x3FC5] =	sst s2  }
0x8f: {  	_ = 	snop  }
0x90: {  	(tm) =	ssettm $0x1  }
0x91: {  	s17 =	sld [smem:$0x3FFB];
	_ =	sdelay $0x3  }
0x92: {  	_ =	strace s17  }
0x93: {  	s2 =	sld [smem:$0x3FFC];
	_ =	sdelay $0x3  }
0x94: {  	_ =	strace s2  }
0x95: {  	s2 =	sld [smem:$0x3FFD];
	_ =	sdelay $0x3  }
0x96: {  	_ =	strace s2  }
0x97: {  	_ =	strace $0x8FFFFFFF  }
0x98: {  	s18 =	sld [smem:$0x3FDB];
	_ =	sdelay $0x1  }
0x99: {  	s19 =	simm.s32 $_scs_section_size  }
0x9a: {  	s4 =	simm.s32 $_size__tile_overlayer_lowered;
	s5 =	simm.s32 $_tile_overlayer_lowered  }
0x9b: {  	s22 =	simm.s32 $0x1BFF;
	s21 =	sshll.u32 s5, $0x1;
	s2 =	sadd.s32 s19, s18  }
0x9c: {  	s6 =	simm.s32 $0x0;
	s20 =	sshll.u32 s4, $0x1;
	s4 =	sadd.s32 s21, s2  }
0x9d: {  	[timem:s6], [sflag:s22] =	dma.local [hbm:s4], s20  }
0x9e: {  	_ =	swait.ge [sflag:s22], s20  }
0x9f: {  	s3 =	ssub.s32 $0x0, s20;
	[sflag:s22] =	ssyncset.done $0x0  }
0xa0: {  	[sflag:s22] =	ssyncadd.s32 s3;
	_ =	sdelay $0x1  }
0xa1: {  	s23 =	simm.s32 $0x1B8B  }
0xa2: {  	_ =	swait.ge [sflag:s23], $0x1  }
0xa3: {  	[sflag:s23] =	ssyncset.done $0x0  }
0xa4: {  	s25 =	simm.s32 $0x1B8E;
	s24 =	sld [smem:$0x3FFE];
	[sflag:s23] =	ssyncadd.s32 $0xFFFFFFFF  }
0xa5: {  	s26 =	simm.s32 $execute0_lowered;
	[smem:$0x3FD2] =	sst s25  }
0xa6: {  	s4 =	sshll.u32 s26, $0x1;
	_ =	strace $0x80000046;
	[dreg:$0x1] =	wrdreg $0xFFFFFFFF  }
0xa7: {  	s28 =	simm.s32 $_size_execute0_lowered;
	s2 =	sadd.s32 s2, s4;
	[dreg:$0x0] =	wrdreg $0x0  }
0xa8: {  	s4 =	sshll.u32 s28, $0x1;
	[dreg:$0x2] =	wrdreg s2  }
0xa9: {  	[dreg:$0x3] =	wrdreg s4  }
0xaa: {  	[dreg:$0x4] =	wrdreg $0xC0  }
0xab: {  	_ =	task [dreg:s6], $0x5FFFF  }
0xac: {  	[dreg:$0x1] =	wrdreg $0xFFFFFFFF  }
0xad: {  	[dreg:$0x0] =	wrdreg $0x60  }
0xae: {  	[dreg:$0x2] =	wrdreg s24  }
0xaf: {  	[dreg:$0x3] =	wrdreg $0x9  }
0xb0: {  	_ =	task.clear_ibuf [dreg:s6], $0x4FFFF;
	_ =	strace $0x90000046  }
0xb1: {  	s29 =	simm.s32 $0x9;
	_ =	strace $0x80000048  }
0xb2: {  	_ =	swait.ge [sflag:s29], $0x1  }
0xb3: {  	[sflag:s29] =	ssyncadd.s32 $0xFFFFFFFF  }
0xb4: {  	_ =	strace $0x90000048  }
0xb5: {  	_ =	sfence  }
0xb6: {  	s30 =	sld [smem:$0x0];
	_ =	sdelay $0x2  }
0xb7: {  	s31 =	sshll.u32 s1, $0xD;
	s1 =	sshrl.u32 s1, $0x2  }
0xb8: {  	s3 =	sand.u32 $0x4000, s31;
	s1 =	sadd.s32 s1, s30  }
0xb9: {  	s0 =	sor.u32 s3, s0;
	s1 =	sshll.u32 s1, $0x11  }
0xba: {  	s0 =	sor.u32 s1, s0  }
0xbb: {  	s0 =	sadd.s32 $0x8F2B, s0  }
0xbc: {  	[sflag:s0] =	ssyncadd.remote.s32 $0x1  }
0xbd: {  	_ =	sfence.sel $0xFFFF  }
0xbe: {  	[dreg:$0x0] =	wrdreg $0xFFFFFFFF;
	(pc) =	sbr.abs _section_cstart, $3  }
0xbf: {  	[dreg:$0x1] =	wrdreg $0xFFFFFFFF  }
0xc0: {  	_ =	task.clear_ibuf [dreg:s6], $0x2FFFF;
	_ =	strace $0x9FFFFFFF  }
0xc1: {  	(tm) =	ssettm $0x7FFFFFFF  }
tec
execute0_lowered:
.L_overlay_start_1:
0x0: {  	(tag) =	ssettag $0x1  }
0x1: {  	s0 =	srdreg.scid  }
0x2: {  	s1 =	sshll.u32 s0, $0x4  }
0x3: {  	s0 =	stileid.u32;
	s1 =	sand.u32 $0x10, s1  }
0x4: {  	s1 =	sor.u32 s0, s1  }
0x5: {  	s2 =	smin.u32 s1, $0x12  }
0x6: {  	s2 =	sadd.s32 s1, s2  }
0x7: {  	p0 =	slt.u32 s1, $0x12;
	s1 =	simm.s32 $0xA0;
	s2 =	smul.u32 $0x50, s2  }
0x8: {  	s1 =	simm.s32 @!p0 $0x50  }
0x9: {  	s1 =	sadd.s32 s1, s2  }
0xa: {  	s3 =	smin.u32 s1, $0xFA0  }
0xb: {  	s7 =	ssub.s32 s3, s2  }
0xc: {  	p0 =	sgt.s32 s7, $0x0  }
0xd: {  	s7 =	simm.s32 @!p0 $0x0  }
0xe: {  	s31 =	smul.u32 $0xCCCD, s7  }
0xf: {  	s4 =	rddreg [dreg:$0x0];
	s6 =	simm.s32 $0x1  }
0x10: {  	s10 =	simm.s32 $0x3;
	s13 =	simm.s32 $0x0;
	s8 =	sshrl.u32 s31, $0x16  }
0x11: {  	s12 =	simm.s32 $0x0;
	s5 =	sadd.s32 $0x4E200, s4;
	s9 =	smul.u32 $0x50, s8  }
.Ltmp0:
0x12: {  	s11 =	smov.u32 s2;
	s1 =	rddreg [dreg:$0x1];
	(pc) =	sbr.rel .LBB2_1-.Ltmp0, $4  }
0x13: {  	_ =	strace $0x80000047;
	p0 =	sne.s32 s7, s9;
	s9 =	simm.s32 $0x1  }
0x14: {  	[sflag:s6] =	ssyncpa.u1 $0x0;
	s7 =	simm.s32 $0x2;
	s9 =	simm.s32 @!p0 $0x0  }
0x15: {  	[sflag:s7] =	ssyncpa.u1 $0x0;
	p0 =	por $0x0, $0x0;
	s8 =	sadd.s32 s8, s9  }
0x16: {  	vm0 =	vmmov $0xff;
	vm1 =	vcmask $0x3F20;
	s9 =	sadd.s32 $0x4E400, s4;
	[sflag:s10] =	ssyncpa.u1 $0x0;
	s10 =	sadd.s32 $0x1, s8  }
.LBB2_6:
0x17: {  	[hbm:s17] =	stream.linear.scatter [tilespmem:s14], [sflag:$0x3], $0x400, $0x38;
	[tilespmem:$0x50A0] =	vst v63  }
.LBB2_7:
0x18: {  	s13 =	sadd.s32 $0x50, s11  }
0x19: {  	s15 =	smov.u32 s2;
	p2 =	slt.s32 s13, s3  }
0x1a: {  	s15 =	smov.u32 @p2 s13;
	p2 =	sne.s32 s12, s10  }
.Ltmp1:
0x1b: {  	p1 =	slt.u32 s12, $0x2;
	(pc) =	sbr.rel @!p2 .LBB2_8-.Ltmp1, $4  }
0x1c: {  	s14 =	simm.s32 @!p1 $0x3  }
0x1d: {  	s16 =	sadd.s32 $0x1, s12;
	_ =	swait.ge @!p1 [sflag:s14], $0x2800  }
0x1e: {  	p0 =	por !p0, !p0;
	s13 =	smov.u32 s11;
	[sflag:s14] =	ssyncset.done @!p1 $0x0  }
0x1f: {  	s12 =	smov.u32 s16;
	s11 =	smov.u32 s15;
	[sflag:s14] =	ssyncadd.s32 @!p1 $0xFFFFD800  }
.LBB2_1:
0x20: {  	p1 =	sge.u32 s12, s8  }
0x21: {  	s14 =	sxor.u32 @!p1 $0xFFFFFFFF, s12  }
0x22: {  	s14 =	sand.u32 @!p1 $0x1, s14  }
0x23: {  	s14 =	smul.u32 @!p1 $0x140, s14  }
0x24: {  	s31 =	sadd.s32 $0xFFFFFFFF, s12;
	s15 =	sshrl.u32 @!p1 s11, $0x3  }
0x25: {  	s16 =	sand.u32 @!p1 $0x7, s11;
	s15 =	sadd.s32 @!p1 s5, s15;
	s14 =	sshrl.u32 @!p1 s14, $0x2  }
0x26: {  	[tilespmem:s14], [sflag:$0x2] =	stream.linear.gather @!p1 [hbm4b:s15+s16], $0x50, $0x38;
	[tilespmem:$0x50A0] =	vst v63  }
0x27: {  	p1 =	sge.u32 s31, s8  }
.Ltmp2:
0x28: {  	_ = 	snop;
	(pc) =	sbr.rel @p1 .LBB2_7-.Ltmp2, $1  }
0x29: {  	_ =	sdelay $0x3  }
0x2a: {  	s14 =	simm.s32 $0x1  }
0x2b: {  	s14 =	simm.s32 @!p0 $0x0  }
0x2c: {  	s15 =	smul.u32 $0x140, s14  }
0x2d: {  	_ =	swait.ge [sflag:s7], $0x50  }
0x2e: {  	[sflag:s7] =	ssyncset.done $0x0;
	s16 =	sshrl.u32 s15, $0x2  }
0x2f: {  	[sflag:s7] =	ssyncadd.s32 $0xFFFFFFB0;
	s15 =	sadd.s32 $0x0, s16  }
0x30: {  	v0 =	vld.msk [tilespmem:s15+$0x0 ss:$0x1], $0xffff;
	_ =	sdelay $0x4  }
0x31: {  	vm2 =	vgt.s32 v0, $0x0  }
0x32: {  	v0 =	vnsel vm2, $0x0, v0  }
0x33: {  	v0 =	vmin.u32 v0, $0x4E1F  }
0x34: {  	v0 =	vshll.u32 v0, $0x4  }
0x35: {  	s14 =	smul.u32 $0xA000, s14;
	_ =	sdelay $0x1  }
0x36: {  	s14 =	sshrl.u32 s14, $0x2  }
0x37: {  	s14 =	sor.u32 $0xA0, s14  }
0x38: {  	[tilespmem:s14], [sflag:$0x1] =	stream.indirect_vreg.gather [hbm:s4], $0x80, v0, vm0, $0x38;
	[tilespmem:$0x50A0] =	vst v63  }
0x39: {  	s17 =	sadd.s32 $0x10, s16;
	s15 =	sadd.s32 $0x400, s14  }
0x3a: {  	[tilespmem:s15], [sflag:$0x1] =	stream.indirect_vreg.gather [hbm:s4], $0x80, v0, vm1, $0x38;
	[tilespmem:$0x50A0] =	vst v63  }
0x3b: {  	s18 =	simm.s32 $0x80;
	v0 =	vld.msk [tilespmem:s17+$0x0 ss:$0x1], $0xffff;
	s17 =	smov.u32 s14  }
.LBB2_3:
0x3c: {  	p1 =	sne.s32 s18, $0x100;
	_ =	sdelay $0x4  }
0x3d: {  	vm2 =	vgt.s32 v0, $0x0  }
0x3e: {  	v0 =	vnsel vm2, $0x0, v0  }
0x3f: {  	v0 =	vmin.u32 v0, $0x4E1F  }
0x40: {  	v0 =	vshll.u32 v0, $0x4;
	_ =	sdelay $0x3  }
.Ltmp3:
0x41: {  	s19 =	sshra.s32 s18, $0x2;
	s17 =	sadd.s32 $0x800, s17;
	(pc) =	sbr.rel @p1 .LBB2_3-.Ltmp3, $4  }
0x42: {  	[tilespmem:s17], [sflag:$0x1] =	stream.indirect_vreg.gather [hbm:s4], $0x80, v0, vm0, $0x38;
	[tilespmem:$0x50A0] =	vst v63  }
0x43: {  	s19 =	sadd.s32 s19, s16;
	s20 =	sadd.s32 $0x400, s17  }
0x44: {  	[tilespmem:s20], [sflag:$0x1] =	stream.indirect_vreg.gather [hbm:s4], $0x80, v0, vm1, $0x38;
	[tilespmem:$0x50A0] =	vst v63  }
0x45: {  	s18 =	sadd.s32 $0x40, s18;
	v0 =	vld.msk [tilespmem:s19+$0x0 ss:$0x1], $0xffff  }
0x46: {  	_ =	sdelay $0x3  }
0x47: {  	vm2 =	vgt.s32 v0, $0x0  }
0x48: {  	v0 =	vnsel vm2, $0x0, v0  }
0x49: {  	v0 =	vmin.u32 v0, $0x4E1F  }
0x4a: {  	v0 =	vshll.u32 v0, $0x4;
	_ =	sdelay $0x3  }
0x4b: {  	s16 =	sadd.s32 $0x800, s17  }
0x4c: {  	[tilespmem:s16], [sflag:$0x1] =	stream.indirect_vreg.gather [hbm:s4], $0x80, v0, vm0, $0x38;
	[tilespmem:$0x50A0] =	vst v63  }
0x4d: {  	s16 =	sadd.s32 $0x400, s16  }
0x4e: {  	[tilespmem:s16], [sflag:$0x1] =	stream.indirect_vreg.gather [hbm:s4], $0x80, v0, vm1, $0x38;
	[tilespmem:$0x50A0] =	vst v63  }
0x4f: {  	s13 =	sshll.u32 s13, $0x4;
	_ =	swait.ge [sflag:s6], $0x2800  }
0x50: {  	s13 =	sadd.s32 s13, s9;
	[sflag:s6] =	ssyncset.done $0x0  }
0x51: {  	s17 =	sadd.s32 $0x0, s13;
	s16 =	simm.s32 $0x80;
	[sflag:s6] =	ssyncadd.s32 $0xFFFFD800  }
.LBB2_5:
0x52: {  	[hbm:s17] =	stream.linear.scatter [tilespmem:s14], [sflag:$0x3], $0x400, $0x38;
	[tilespmem:$0x50A0] =	vst v63  }
0x53: {  	s17 =	smov.u32 s16;
	s14 =	smov.u32 s15;
	p1 =	sne.s32 s16, $0x480  }
.Ltmp4:
0x54: {  	s16 =	sadd.s32 $0x80, s16;
	(pc) =	sbr.rel @p1 .LBB2_5-.Ltmp4, $2  }
0x55: {  	_ =	sdelay $0x2  }
0x56: {  	s15 =	sadd.s32 $0x400, s15;
	s17 =	sadd.s32 s17, s13  }
.Ltmp5:
0x57: {  	_ = 	snop;
	(pc) =	sbr.rel .LBB2_6-.Ltmp5, $1  }
0x58: {  	_ =	sdelay $0x3  }
.LBB2_8:
0x59: {  	_ =	sfence.sel $0x180000  }
0x5a: {  	s2 =	simm.s32 $0x2;
	[bflag:$0x0] =	sbarrier.arrive $0xFFFF  }
0x5b: {  	s30 =	simm.s32 $0x3;
	[sflag:s2] =	ssyncpa.u1 $0x1  }
0x5c: {  	s31 =	simm.s32 $0x1;
	[sflag:s30] =	ssyncpa.u1 $0x1  }
0x5d: {  	[sflag:s31] =	ssyncpa.u1 $0x1  }
0x5e: {  	p0 =	sne.s32 s0, $0x0;
	_ =	strace $0x90000047  }
0x5f: {  	s0 =	sadd.s32 @!p0 $0x100000, s1;
	[bflag:$0x2] =	sbarrier.arrive $0xFFFF  }
0x60: {  	[sflag:s0] =	ssyncadd.tile.s32 @!p0 $0x1;
	_ =	shalt  }
.Lfunc_end2:
_tile_overlayer_lowered:
.L_overlay_start_2:
0x61: {  	(tag) =	ssettag $0x2  }
0x62: {  	s0 =	rddreg [dreg:$0x0];
	s2 =	stileid.u32  }
0x63: {  	s1 =	rddreg [dreg:$0x1];
	p0 =	sne.s32 s2, $0x0  }
0x64: {  	s3 =	rddreg [dreg:$0x2];
	[bflag:$0x3] =	sbarrier.arrive $0xFFFF;
	s2 =	simm.s32 @!p0 $0x1C01  }
0x65: {  	[timem:s3], [sflag:s2] =	dma.local @!p0 [hbm:s0], s1  }
0x66: {  	s0 =	simm.s32 @!p0 $0x1  }
0x67: {  	_ =	swait.ge @!p0 [sflag:s0], s1  }
0x68: {  	s1 =	ssub.s32 @!p0 $0x0, s1;
	[sflag:s0] =	ssyncset.done @!p0 $0x0  }
0x69: {  	[sflag:s0] =	ssyncadd.s32 @!p0 s1  }
0x6a: {  	[bflag:$0x3] =	sbarrier.arrive $0xFFFF  }
0x6b: {  	_ =	shalt  }

</sc_bundles>
